<compile_context>
chip_gen: v7x
topology: tpu7x:2x2x1
jax: 0.10.2.dev20260603
libtpu: 0.0.44.dev20260713+nightly
codegen_flags: <defaults>
</compile_context>

<pallas_src>
import functools

import jax
import jax.numpy as jnp
from jax import lax
from jax.experimental import pallas as pl
from jax.experimental.pallas import tpu as pltpu
from jax.experimental.pallas import tpu_sc as plsc

NUM_CORES = 2
NUM_SUBCORES = 16
NUM_WORKERS = NUM_CORES * NUM_SUBCORES

B_BATCH = 4096
SEQ = 200
DIM = 64
PDIM = 128
B_PER_W = B_BATCH // NUM_WORKERS
ROWS_PER_CHUNK = 2
CHUNK = ROWS_PER_CHUNK * SEQ
N_CHUNKS = B_PER_W // ROWS_PER_CHUNK
GATHER_SPLITS = ((0, 128), (128, 128), (256, 128), (384, 16))


@jax.jit
def _embedding_gather(token_ids_flat, table):
    mesh = plsc.VectorSubcoreMesh(core_axis_name="c", subcore_axis_name="s")

    @functools.partial(
        pl.kernel,
        mesh=mesh,
        out_type=jax.ShapeDtypeStruct((B_BATCH, SEQ, PDIM), jnp.float32),
        scratch_types=[
            pltpu.VMEM((CHUNK,), jnp.int32),
            pltpu.VMEM((CHUNK,), jnp.int32),
            pltpu.VMEM((CHUNK, PDIM), jnp.float32),
            pltpu.VMEM((CHUNK, PDIM), jnp.float32),
            pltpu.SemaphoreType.DMA,
            pltpu.SemaphoreType.DMA,
            pltpu.SemaphoreType.DMA,
        ],
        compiler_params=pltpu.CompilerParams(use_tc_tiling_on_sc=True),
    )
    def k(idx_hbm, table_hbm, out_hbm, idx0, idx1, rows0, rows1,
          sem_g, sem_w0, sem_w1):
        wid = lax.axis_index("s") * NUM_CORES + lax.axis_index("c")
        tok_base = wid * (B_PER_W * SEQ)
        b_base = wid * B_PER_W

        def gathers(idx_v, rows_v):
            return [
                pltpu.make_async_copy(
                    table_hbm.at[idx_v.at[pl.ds(g0, glen)]],
                    rows_v.at[pl.ds(g0, glen)],
                    sem_g,
                )
                for g0, glen in GATHER_SPLITS
            ]

        def writes(rows_v, sem_w, j):
            b0 = b_base + j * ROWS_PER_CHUNK
            return [
                pltpu.make_async_copy(
                    rows_v.at[pl.ds(r * SEQ, SEQ)],
                    out_hbm.at[b0 + r],
                    sem_w,
                )
                for r in range(ROWS_PER_CHUNK)
            ]

        def load_idx(idx_v, j):
            pltpu.sync_copy(
                idx_hbm.at[pl.ds(tok_base + j * CHUNK, CHUNK)], idx_v
            )

        bufs = ((idx0, rows0, sem_w0), (idx1, rows1, sem_w1))

        def do_chunk(j, slot, first2, last):
            idx_v, rows_v, sem_w = bufs[slot]
            idx_n = bufs[1 - slot][0]
            if not first2:
                for c in writes(rows_v, sem_w, j - 2):
                    c.wait()
            for c in gathers(idx_v, rows_v):
                c.start()
            if not last:
                load_idx(idx_n, j + 1)
            for c in gathers(idx_v, rows_v):
                c.wait()
            for c in writes(rows_v, sem_w, j):
                c.start()

        def body(i, carry):
            do_chunk(2 * i, 0, False, False)
            do_chunk(2 * i + 1, 1, False, False)
            return carry

        load_idx(idx0, 0)
        do_chunk(0, 0, True, False)
        do_chunk(1, 1, True, False)
        lax.fori_loop(1, N_CHUNKS // 2 - 1, body, 0)
        do_chunk(N_CHUNKS - 2, 0, False, False)
        do_chunk(N_CHUNKS - 1, 1, False, True)
        for c in writes(rows0, sem_w0, N_CHUNKS - 2):
            c.wait()
        for c in writes(rows1, sem_w1, N_CHUNKS - 1):
            c.wait()

    return k(token_ids_flat, table)


def kernel(token_ids, weight):
    s0, s1 = token_ids.shape
    flat = token_ids.reshape(s0 * s1)
    table = jnp.pad(weight, ((0, 0), (0, PDIM - DIM)))
    out = _embedding_gather(flat, table)
    return out[:, :, :DIM]

# --- scband reference (transcript-rebuilt; emitter-appended) ---
"""Pipeline reference for scband-embedding-1245540515883 (READ-ONLY COPY).

The authoritative reference and input builder live on the scoring server;
editing this copy changes nothing except your own understanding.
"""

import jax, jax.numpy as jnp
import numpy as np

NUM_EMBEDDINGS = 1000000
EMBEDDING_DIM = 64

def setup_inputs(seed: int = 0) -> dict:
    key = jax.random.key(seed)
    k_idx, k_w = jax.random.split(key)
    token_ids = jax.random.randint(k_idx, (4096, 200), 0, NUM_EMBEDDINGS, dtype=jnp.int64 if jax.config.jax_enable_x64 else jnp.int32)
    # trunc_normal_(mean=0, std=1, a=-3, b=3)
    weight = jax.random.truncated_normal(k_w, -3.0, 3.0, (NUM_EMBEDDINGS, EMBEDDING_DIM), dtype=jnp.float32)
    return {"token_ids": token_ids, "weight": weight}

def reference(token_ids, weight):
    # Faithful to torch: self.weight[token_ids] -> gather on axis 0
    return jnp.take(weight, token_ids, axis=0)

if __name__ == "__main__":
    import jax
    _d = setup_inputs()
    print(jax.jit(kernel)(*tuple(_d.values())))

</pallas_src>

<mosaic_0001>
#map = affine_map<(d0, d1) -> (0)>
#map1 = affine_map<(d0, d1) -> (0, 0)>
#map2 = affine_map<(d0, d1) -> (0, 0, 0)>
module attributes {stable_mosaic.version = 14 : i64} {
  func.func @k(%arg0: i32, %arg1: i32, %arg2: memref<819200xi32, #tpu.memory_space<hbm>>, %arg3: memref<1000000x128xf32, #tpu.memory_space<hbm>>, %arg4: memref<4096x200x128xf32, #tpu.memory_space<hbm>>, %arg5: memref<400xi32, #tpu.memory_space<vmem>>, %arg6: memref<400xi32, #tpu.memory_space<vmem>>, %arg7: memref<400x128xf32, #tpu.memory_space<vmem>>, %arg8: memref<400x128xf32, #tpu.memory_space<vmem>>, %arg9: memref<!tpu.dma_semaphore, #tpu.memory_space<semaphore_mem>>, %arg10: memref<!tpu.dma_semaphore, #tpu.memory_space<semaphore_mem>>, %arg11: memref<!tpu.dma_semaphore, #tpu.memory_space<semaphore_mem>>) attributes {dimension_semantics = [#tpu.dimension_semantics<core_parallel>, #tpu.dimension_semantics<subcore_parallel>], iteration_bounds = array<i64: 2, 16>, scalar_prefetch = 0 : i64, scratch_operands = 7 : i64, tpu.core_type = #tpu.core_type<sc_vector_subcore>, window_params = [{transform_indices = #map}, {transform_indices = #map1}, {transform_indices = #map2}]} {
    %mul3A = arith.constant 2 : i32
    %mul3A_0 = arith.muli %arg1, %mul3A : i32
    %add3A = arith.addi %mul3A_0, %arg0 : i32
    %mul3A_1 = arith.constant 25600 : i32
    %mul3A_2 = arith.muli %add3A, %mul3A_1 : i32
    %mul3A_3 = arith.constant 128 : i32
    %mul3A_4 = arith.muli %add3A, %mul3A_3 : i32
    %add3A_5 = arith.constant 0 : i32
    %add3A_6 = arith.addi %mul3A_2, %add3A_5 : i32
    "tpu.region"() ({
      %run_scoped3A = tpu.sem_alloc : memref<!tpu.dma_semaphore, #tpu.memory_space<semaphore_mem>>
      %dma_start3A_544 = tpu.memref_slice %arg2[%add3A_6] : memref<819200xi32, #tpu.memory_space<hbm>> -> memref<400xi32, #tpu.memory_space<hbm>>
      %dma_start3A_545 = tpu.memref_slice %arg2[%add3A_6] : memref<819200xi32, #tpu.memory_space<hbm>> -> memref<400xi32, #tpu.memory_space<hbm>>
      tpu.enqueue_dma source(%dma_start3A_545 : memref<400xi32, #tpu.memory_space<hbm>>) target(%arg5 : memref<400xi32, #tpu.memory_space<vmem>>) target_semaphore(%run_scoped3A : memref<!tpu.dma_semaphore, #tpu.memory_space<semaphore_mem>>)
      %dma_wait3A_546 = tpu.memref_slice %arg2[%add3A_6] : memref<819200xi32, #tpu.memory_space<hbm>> -> memref<400xi32, #tpu.memory_space<hbm>>
      %dma_wait3A_547 = tpu.memref_slice %arg2[%add3A_6] : memref<819200xi32, #tpu.memory_space<hbm>> -> memref<400xi32, #tpu.memory_space<hbm>>
      tpu.wait_dma2 semaphore(%run_scoped3A : memref<!tpu.dma_semaphore, #tpu.memory_space<semaphore_mem>>) src(%dma_wait3A_547 : memref<400xi32, #tpu.memory_space<hbm>>) dst(%arg5 : memref<400xi32, #tpu.memory_space<vmem>>)
      tpu.yield
    }) : () -> ()
    %dma_start3A = arith.constant 0 : i32
    %dma_start3A_7 = arith.constant 0 : i32
    %dma_start3A_8 = tpu.memref_slice %arg7[%dma_start3A, %dma_start3A_7] : memref<400x128xf32, #tpu.memory_space<vmem>> -> memref<128x128xf32, #tpu.memory_space<vmem>>
    %dma_start3A_9 = arith.constant 0 : i32
    %dma_start3A_10 = tpu.memref_slice %arg5[%dma_start3A_9] : memref<400xi32, #tpu.memory_space<vmem>> -> memref<128xi32, #tpu.memory_space<vmem>>
    %dma_start3A_11 = arith.constant 0 : i32
    %dma_start3A_12 = arith.constant 0 : i32
    %dma_start3A_13 = tpu.memref_slice %arg3[%dma_start3A_11, %dma_start3A_12] : memref<1000000x128xf32, #tpu.memory_space<hbm>> -> memref<1000000x128xf32, #tpu.memory_space<hbm>>
    tpu.enqueue_indirect_dma source(%dma_start3A_13 : memref<1000000x128xf32, #tpu.memory_space<hbm>>) target(%dma_start3A_8 : memref<128x128xf32, #tpu.memory_space<vmem>>) offsets(%dma_start3A_10 : memref<128xi32, #tpu.memory_space<vmem>>) semaphore(%arg9 : memref<!tpu.dma_semaphore, #tpu.memory_space<semaphore_mem>>)
    %dma_start3A_14 = arith.constant 128 : i32
    %dma_start3A_15 = arith.constant 0 : i32
    %dma_start3A_16 = tpu.memref_slice %arg7[%dma_start3A_14, %dma_start3A_15] : memref<400x128xf32, #tpu.memory_space<vmem>> -> memref<128x128xf32, #tpu.memory_space<vmem>>
    %dma_start3A_17 = arith.constant 128 : i32
    %dma_start3A_18 = tpu.memref_slice %arg5[%dma_start3A_17] : memref<400xi32, #tpu.memory_space<vmem>> -> memref<128xi32, #tpu.memory_space<vmem>>
    %dma_start3A_19 = arith.constant 0 : i32
    %dma_start3A_20 = arith.constant 0 : i32
    %dma_start3A_21 = tpu.memref_slice %arg3[%dma_start3A_19, %dma_start3A_20] : memref<1000000x128xf32, #tpu.memory_space<hbm>> -> memref<1000000x128xf32, #tpu.memory_space<hbm>>
    tpu.enqueue_indirect_dma source(%dma_start3A_21 : memref<1000000x128xf32, #tpu.memory_space<hbm>>) target(%dma_start3A_16 : memref<128x128xf32, #tpu.memory_space<vmem>>) offsets(%dma_start3A_18 : memref<128xi32, #tpu.memory_space<vmem>>) semaphore(%arg9 : memref<!tpu.dma_semaphore, #tpu.memory_space<semaphore_mem>>)
    %dma_start3A_22 = arith.constant 256 : i32
    %dma_start3A_23 = arith.constant 0 : i32
    %dma_start3A_24 = tpu.memref_slice %arg7[%dma_start3A_22, %dma_start3A_23] : memref<400x128xf32, #tpu.memory_space<vmem>> -> memref<128x128xf32, #tpu.memory_space<vmem>>
    %dma_start3A_25 = arith.constant 256 : i32
    %dma_start3A_26 = tpu.memref_slice %arg5[%dma_start3A_25] : memref<400xi32, #tpu.memory_space<vmem>> -> memref<128xi32, #tpu.memory_space<vmem>>
    %dma_start3A_27 = arith.constant 0 : i32
    %dma_start3A_28 = arith.constant 0 : i32
    %dma_start3A_29 = tpu.memref_slice %arg3[%dma_start3A_27, %dma_start3A_28] : memref<1000000x128xf32, #tpu.memory_space<hbm>> -> memref<1000000x128xf32, #tpu.memory_space<hbm>>
    tpu.enqueue_indirect_dma source(%dma_start3A_29 : memref<1000000x128xf32, #tpu.memory_space<hbm>>) target(%dma_start3A_24 : memref<128x128xf32, #tpu.memory_space<vmem>>) offsets(%dma_start3A_26 : memref<128xi32, #tpu.memory_space<vmem>>) semaphore(%arg9 : memref<!tpu.dma_semaphore, #tpu.memory_space<semaphore_mem>>)
    %dma_start3A_30 = arith.constant 384 : i32
    %dma_start3A_31 = arith.constant 0 : i32
    %dma_start3A_32 = tpu.memref_slice %arg7[%dma_start3A_30, %dma_start3A_31] : memref<400x128xf32, #tpu.memory_space<vmem>> -> memref<16x128xf32, #tpu.memory_space<vmem>>
    %dma_start3A_33 = arith.constant 384 : i32
    %dma_start3A_34 = tpu.memref_slice %arg5[%dma_start3A_33] : memref<400xi32, #tpu.memory_space<vmem>> -> memref<16xi32, #tpu.memory_space<vmem>>
    %dma_start3A_35 = arith.constant 0 : i32
    %dma_start3A_36 = arith.constant 0 : i32
    %dma_start3A_37 = tpu.memref_slice %arg3[%dma_start3A_35, %dma_start3A_36] : memref<1000000x128xf32, #tpu.memory_space<hbm>> -> memref<1000000x128xf32, #tpu.memory_space<hbm>>
    tpu.enqueue_indirect_dma source(%dma_start3A_37 : memref<1000000x128xf32, #tpu.memory_space<hbm>>) target(%dma_start3A_32 : memref<16x128xf32, #tpu.memory_space<vmem>>) offsets(%dma_start3A_34 : memref<16xi32, #tpu.memory_space<vmem>>) semaphore(%arg9 : memref<!tpu.dma_semaphore, #tpu.memory_space<semaphore_mem>>)
    %add3A_38 = arith.constant 400 : i32
    %add3A_39 = arith.addi %mul3A_2, %add3A_38 : i32
    "tpu.region"() ({
      %run_scoped3A = tpu.sem_alloc : memref<!tpu.dma_semaphore, #tpu.memory_space<semaphore_mem>>
      %dma_start3A_544 = tpu.memref_slice %arg2[%add3A_39] : memref<819200xi32, #tpu.memory_space<hbm>> -> memref<400xi32, #tpu.memory_space<hbm>>
      %dma_start3A_545 = tpu.memref_slice %arg2[%add3A_39] : memref<819200xi32, #tpu.memory_space<hbm>> -> memref<400xi32, #tpu.memory_space<hbm>>
      tpu.enqueue_dma source(%dma_start3A_545 : memref<400xi32, #tpu.memory_space<hbm>>) target(%arg6 : memref<400xi32, #tpu.memory_space<vmem>>) target_semaphore(%run_scoped3A : memref<!tpu.dma_semaphore, #tpu.memory_space<semaphore_mem>>)
      %dma_wait3A_546 = tpu.memref_slice %arg2[%add3A_39] : memref<819200xi32, #tpu.memory_space<hbm>> -> memref<400xi32, #tpu.memory_space<hbm>>
      %dma_wait3A_547 = tpu.memref_slice %arg2[%add3A_39] : memref<819200xi32, #tpu.memory_space<hbm>> -> memref<400xi32, #tpu.memory_space<hbm>>
      tpu.wait_dma2 semaphore(%run_scoped3A : memref<!tpu.dma_semaphore, #tpu.memory_space<semaphore_mem>>) src(%dma_wait3A_547 : memref<400xi32, #tpu.memory_space<hbm>>) dst(%arg6 : memref<400xi32, #tpu.memory_space<vmem>>)
      tpu.yield
    }) : () -> ()
    %dma_wait3A = arith.constant 0 : i32
    %dma_wait3A_40 = arith.constant 0 : i32
    %dma_wait3A_41 = tpu.memref_slice %arg7[%dma_wait3A, %dma_wait3A_40] : memref<400x128xf32, #tpu.memory_space<vmem>> -> memref<128x128xf32, #tpu.memory_space<vmem>>
    %dma_wait3A_42 = arith.constant 0 : i32
    %dma_wait3A_43 = tpu.memref_slice %arg5[%dma_wait3A_42] : memref<400xi32, #tpu.memory_space<vmem>> -> memref<128xi32, #tpu.memory_space<vmem>>
    %dma_wait3A_44 = arith.constant 0 : i32
    %dma_wait3A_45 = arith.constant 0 : i32
    %dma_wait3A_46 = tpu.memref_slice %arg3[%dma_wait3A_44, %dma_wait3A_45] : memref<1000000x128xf32, #tpu.memory_space<hbm>> -> memref<1000000x128xf32, #tpu.memory_space<hbm>>
    tpu.wait_indirect_dma semaphore(%arg9 : memref<!tpu.dma_semaphore, #tpu.memory_space<semaphore_mem>>) src(%dma_wait3A_46 : memref<1000000x128xf32, #tpu.memory_space<hbm>>) dst(%dma_wait3A_41 : memref<128x128xf32, #tpu.memory_space<vmem>>)
    %dma_wait3A_47 = arith.constant 128 : i32
    %dma_wait3A_48 = arith.constant 0 : i32
    %dma_wait3A_49 = tpu.memref_slice %arg7[%dma_wait3A_47, %dma_wait3A_48] : memref<400x128xf32, #tpu.memory_space<vmem>> -> memref<128x128xf32, #tpu.memory_space<vmem>>
    %dma_wait3A_50 = arith.constant 128 : i32
    %dma_wait3A_51 = tpu.memref_slice %arg5[%dma_wait3A_50] : memref<400xi32, #tpu.memory_space<vmem>> -> memref<128xi32, #tpu.memory_space<vmem>>
    %dma_wait3A_52 = arith.constant 0 : i32
    %dma_wait3A_53 = arith.constant 0 : i32
    %dma_wait3A_54 = tpu.memref_slice %arg3[%dma_wait3A_52, %dma_wait3A_53] : memref<1000000x128xf32, #tpu.memory_space<hbm>> -> memref<1000000x128xf32, #tpu.memory_space<hbm>>
    tpu.wait_indirect_dma semaphore(%arg9 : memref<!tpu.dma_semaphore, #tpu.memory_space<semaphore_mem>>) src(%dma_wait3A_54 : memref<1000000x128xf32, #tpu.memory_space<hbm>>) dst(%dma_wait3A_49 : memref<128x128xf32, #tpu.memory_space<vmem>>)
    %dma_wait3A_55 = arith.constant 256 : i32
    %dma_wait3A_56 = arith.constant 0 : i32
    %dma_wait3A_57 = tpu.memref_slice %arg7[%dma_wait3A_55, %dma_wait3A_56] : memref<400x128xf32, #tpu.memory_space<vmem>> -> memref<128x128xf32, #tpu.memory_space<vmem>>
    %dma_wait3A_58 = arith.constant 256 : i32
    %dma_wait3A_59 = tpu.memref_slice %arg5[%dma_wait3A_58] : memref<400xi32, #tpu.memory_space<vmem>> -> memref<128xi32, #tpu.memory_space<vmem>>
    %dma_wait3A_60 = arith.constant 0 : i32
    %dma_wait3A_61 = arith.constant 0 : i32
    %dma_wait3A_62 = tpu.memref_slice %arg3[%dma_wait3A_60, %dma_wait3A_61] : memref<1000000x128xf32, #tpu.memory_space<hbm>> -> memref<1000000x128xf32, #tpu.memory_space<hbm>>
    tpu.wait_indirect_dma semaphore(%arg9 : memref<!tpu.dma_semaphore, #tpu.memory_space<semaphore_mem>>) src(%dma_wait3A_62 : memref<1000000x128xf32, #tpu.memory_space<hbm>>) dst(%dma_wait3A_57 : memref<128x128xf32, #tpu.memory_space<vmem>>)
    %dma_wait3A_63 = arith.constant 384 : i32
    %dma_wait3A_64 = arith.constant 0 : i32
    %dma_wait3A_65 = tpu.memref_slice %arg7[%dma_wait3A_63, %dma_wait3A_64] : memref<400x128xf32, #tpu.memory_space<vmem>> -> memref<16x128xf32, #tpu.memory_space<vmem>>
    %dma_wait3A_66 = arith.constant 384 : i32
    %dma_wait3A_67 = tpu.memref_slice %arg5[%dma_wait3A_66] : memref<400xi32, #tpu.memory_space<vmem>> -> memref<16xi32, #tpu.memory_space<vmem>>
    %dma_wait3A_68 = arith.constant 0 : i32
    %dma_wait3A_69 = arith.constant 0 : i32
    %dma_wait3A_70 = tpu.memref_slice %arg3[%dma_wait3A_68, %dma_wait3A_69] : memref<1000000x128xf32, #tpu.memory_space<hbm>> -> memref<1000000x128xf32, #tpu.memory_space<hbm>>
    tpu.wait_indirect_dma semaphore(%arg9 : memref<!tpu.dma_semaphore, #tpu.memory_space<semaphore_mem>>) src(%dma_wait3A_70 : memref<1000000x128xf32, #tpu.memory_space<hbm>>) dst(%dma_wait3A_65 : memref<16x128xf32, #tpu.memory_space<vmem>>)
    %add3A_71 = arith.constant 0 : i32
    %add3A_72 = arith.addi %mul3A_4, %add3A_71 : i32
    %add3A_73 = arith.constant 0 : i32
    %add3A_74 = arith.addi %add3A_72, %add3A_73 : i32
    %add3A_75 = arith.constant 1 : i32
    %add3A_76 = arith.addi %add3A_72, %add3A_75 : i32
    %dma_start3A_77 = arith.constant 0 : i32
    %dma_start3A_78 = arith.constant 0 : i32
    %dma_start3A_79 = tpu.memref_slice %arg7[%dma_start3A_77, %dma_start3A_78] : memref<400x128xf32, #tpu.memory_space<vmem>> -> memref<200x128xf32, #tpu.memory_space<vmem>>
    %dma_start3A_80 = arith.constant 0 : i32
    %dma_start3A_81 = arith.constant 0 : i32
    %dma_start3A_82 = tpu.memref_slice %arg4[%add3A_74, %dma_start3A_80, %dma_start3A_81] : memref<4096x200x128xf32, #tpu.memory_space<hbm>> -> memref<1x200x128xf32, #tpu.memory_space<hbm>>
    %dma_start3A_83 = tpu.memref_squeeze %dma_start3A_82 : memref<1x200x128xf32, #tpu.memory_space<hbm>> -> memref<200x128xf32, #tpu.memory_space<hbm>>
    %dma_start3A_84 = arith.constant 0 : i32
    %dma_start3A_85 = arith.constant 0 : i32
    %dma_start3A_86 = tpu.memref_slice %arg4[%add3A_74, %dma_start3A_84, %dma_start3A_85] : memref<4096x200x128xf32, #tpu.memory_space<hbm>> -> memref<1x200x128xf32, #tpu.memory_space<hbm>>
    %dma_start3A_87 = tpu.memref_squeeze %dma_start3A_86 : memref<1x200x128xf32, #tpu.memory_space<hbm>> -> memref<200x128xf32, #tpu.memory_space<hbm>>
    %dma_start3A_88 = arith.constant 0 : i32
    %dma_start3A_89 = arith.constant 0 : i32
    %dma_start3A_90 = tpu.memref_slice %arg7[%dma_start3A_88, %dma_start3A_89] : memref<400x128xf32, #tpu.memory_space<vmem>> -> memref<200x128xf32, #tpu.memory_space<vmem>>
    tpu.enqueue_dma source(%dma_start3A_90 : memref<200x128xf32, #tpu.memory_space<vmem>>) target(%dma_start3A_87 : memref<200x128xf32, #tpu.memory_space<hbm>>) target_semaphore(%arg10 : memref<!tpu.dma_semaphore, #tpu.memory_space<semaphore_mem>>)
    %dma_start3A_91 = arith.constant 200 : i32
    %dma_start3A_92 = arith.constant 0 : i32
    %dma_start3A_93 = tpu.memref_slice %arg7[%dma_start3A_91, %dma_start3A_92] : memref<400x128xf32, #tpu.memory_space<vmem>> -> memref<200x128xf32, #tpu.memory_space<vmem>>
    %dma_start3A_94 = arith.constant 0 : i32
    %dma_start3A_95 = arith.constant 0 : i32
    %dma_start3A_96 = tpu.memref_slice %arg4[%add3A_76, %dma_start3A_94, %dma_start3A_95] : memref<4096x200x128xf32, #tpu.memory_space<hbm>> -> memref<1x200x128xf32, #tpu.memory_space<hbm>>
    %dma_start3A_97 = tpu.memref_squeeze %dma_start3A_96 : memref<1x200x128xf32, #tpu.memory_space<hbm>> -> memref<200x128xf32, #tpu.memory_space<hbm>>
    %dma_start3A_98 = arith.constant 0 : i32
    %dma_start3A_99 = arith.constant 0 : i32
    %dma_start3A_100 = tpu.memref_slice %arg4[%add3A_76, %dma_start3A_98, %dma_start3A_99] : memref<4096x200x128xf32, #tpu.memory_space<hbm>> -> memref<1x200x128xf32, #tpu.memory_space<hbm>>
    %dma_start3A_101 = tpu.memref_squeeze %dma_start3A_100 : memref<1x200x128xf32, #tpu.memory_space<hbm>> -> memref<200x128xf32, #tpu.memory_space<hbm>>
    %dma_start3A_102 = arith.constant 200 : i32
    %dma_start3A_103 = arith.constant 0 : i32
    %dma_start3A_104 = tpu.memref_slice %arg7[%dma_start3A_102, %dma_start3A_103] : memref<400x128xf32, #tpu.memory_space<vmem>> -> memref<200x128xf32, #tpu.memory_space<vmem>>
    tpu.enqueue_dma source(%dma_start3A_104 : memref<200x128xf32, #tpu.memory_space<vmem>>) target(%dma_start3A_101 : memref<200x128xf32, #tpu.memory_space<hbm>>) target_semaphore(%arg10 : memref<!tpu.dma_semaphore, #tpu.memory_space<semaphore_mem>>)
    %dma_start3A_105 = arith.constant 0 : i32
    %dma_start3A_106 = arith.constant 0 : i32
    %dma_start3A_107 = tpu.memref_slice %arg8[%dma_start3A_105, %dma_start3A_106] : memref<400x128xf32, #tpu.memory_space<vmem>> -> memref<128x128xf32, #tpu.memory_space<vmem>>
    %dma_start3A_108 = arith.constant 0 : i32
    %dma_start3A_109 = tpu.memref_slice %arg6[%dma_start3A_108] : memref<400xi32, #tpu.memory_space<vmem>> -> memref<128xi32, #tpu.memory_space<vmem>>
    %dma_start3A_110 = arith.constant 0 : i32
    %dma_start3A_111 = arith.constant 0 : i32
    %dma_start3A_112 = tpu.memref_slice %arg3[%dma_start3A_110, %dma_start3A_111] : memref<1000000x128xf32, #tpu.memory_space<hbm>> -> memref<1000000x128xf32, #tpu.memory_space<hbm>>
    tpu.enqueue_indirect_dma source(%dma_start3A_112 : memref<1000000x128xf32, #tpu.memory_space<hbm>>) target(%dma_start3A_107 : memref<128x128xf32, #tpu.memory_space<vmem>>) offsets(%dma_start3A_109 : memref<128xi32, #tpu.memory_space<vmem>>) semaphore(%arg9 : memref<!tpu.dma_semaphore, #tpu.memory_space<semaphore_mem>>)
    %dma_start3A_113 = arith.constant 128 : i32
    %dma_start3A_114 = arith.constant 0 : i32
    %dma_start3A_115 = tpu.memref_slice %arg8[%dma_start3A_113, %dma_start3A_114] : memref<400x128xf32, #tpu.memory_space<vmem>> -> memref<128x128xf32, #tpu.memory_space<vmem>>
    %dma_start3A_116 = arith.constant 128 : i32
    %dma_start3A_117 = tpu.memref_slice %arg6[%dma_start3A_116] : memref<400xi32, #tpu.memory_space<vmem>> -> memref<128xi32, #tpu.memory_space<vmem>>
    %dma_start3A_118 = arith.constant 0 : i32
    %dma_start3A_119 = arith.constant 0 : i32
    %dma_start3A_120 = tpu.memref_slice %arg3[%dma_start3A_118, %dma_start3A_119] : memref<1000000x128xf32, #tpu.memory_space<hbm>> -> memref<1000000x128xf32, #tpu.memory_space<hbm>>
    tpu.enqueue_indirect_dma source(%dma_start3A_120 : memref<1000000x128xf32, #tpu.memory_space<hbm>>) target(%dma_start3A_115 : memref<128x128xf32, #tpu.memory_space<vmem>>) offsets(%dma_start3A_117 : memref<128xi32, #tpu.memory_space<vmem>>) semaphore(%arg9 : memref<!tpu.dma_semaphore, #tpu.memory_space<semaphore_mem>>)
    %dma_start3A_121 = arith.constant 256 : i32
    %dma_start3A_122 = arith.constant 0 : i32
    %dma_start3A_123 = tpu.memref_slice %arg8[%dma_start3A_121, %dma_start3A_122] : memref<400x128xf32, #tpu.memory_space<vmem>> -> memref<128x128xf32, #tpu.memory_space<vmem>>
    %dma_start3A_124 = arith.constant 256 : i32
    %dma_start3A_125 = tpu.memref_slice %arg6[%dma_start3A_124] : memref<400xi32, #tpu.memory_space<vmem>> -> memref<128xi32, #tpu.memory_space<vmem>>
    %dma_start3A_126 = arith.constant 0 : i32
    %dma_start3A_127 = arith.constant 0 : i32
    %dma_start3A_128 = tpu.memref_slice %arg3[%dma_start3A_126, %dma_start3A_127] : memref<1000000x128xf32, #tpu.memory_space<hbm>> -> memref<1000000x128xf32, #tpu.memory_space<hbm>>
    tpu.enqueue_indirect_dma source(%dma_start3A_128 : memref<1000000x128xf32, #tpu.memory_space<hbm>>) target(%dma_start3A_123 : memref<128x128xf32, #tpu.memory_space<vmem>>) offsets(%dma_start3A_125 : memref<128xi32, #tpu.memory_space<vmem>>) semaphore(%arg9 : memref<!tpu.dma_semaphore, #tpu.memory_space<semaphore_mem>>)
    %dma_start3A_129 = arith.constant 384 : i32
    %dma_start3A_130 = arith.constant 0 : i32
    %dma_start3A_131 = tpu.memref_slice %arg8[%dma_start3A_129, %dma_start3A_130] : memref<400x128xf32, #tpu.memory_space<vmem>> -> memref<16x128xf32, #tpu.memory_space<vmem>>
    %dma_start3A_132 = arith.constant 384 : i32
    %dma_start3A_133 = tpu.memref_slice %arg6[%dma_start3A_132] : memref<400xi32, #tpu.memory_space<vmem>> -> memref<16xi32, #tpu.memory_space<vmem>>
    %dma_start3A_134 = arith.constant 0 : i32
    %dma_start3A_135 = arith.constant 0 : i32
    %dma_start3A_136 = tpu.memref_slice %arg3[%dma_start3A_134, %dma_start3A_135] : memref<1000000x128xf32, #tpu.memory_space<hbm>> -> memref<1000000x128xf32, #tpu.memory_space<hbm>>
    tpu.enqueue_indirect_dma source(%dma_start3A_136 : memref<1000000x128xf32, #tpu.memory_space<hbm>>) target(%dma_start3A_131 : memref<16x128xf32, #tpu.memory_space<vmem>>) offsets(%dma_start3A_133 : memref<16xi32, #tpu.memory_space<vmem>>) semaphore(%arg9 : memref<!tpu.dma_semaphore, #tpu.memory_space<semaphore_mem>>)
    %add3A_137 = arith.constant 800 : i32
    %add3A_138 = arith.addi %mul3A_2, %add3A_137 : i32
    "tpu.region"() ({
      %run_scoped3A = tpu.sem_alloc : memref<!tpu.dma_semaphore, #tpu.memory_space<semaphore_mem>>
      %dma_start3A_544 = tpu.memref_slice %arg2[%add3A_138] : memref<819200xi32, #tpu.memory_space<hbm>> -> memref<400xi32, #tpu.memory_space<hbm>>
      %dma_start3A_545 = tpu.memref_slice %arg2[%add3A_138] : memref<819200xi32, #tpu.memory_space<hbm>> -> memref<400xi32, #tpu.memory_space<hbm>>
      tpu.enqueue_dma source(%dma_start3A_545 : memref<400xi32, #tpu.memory_space<hbm>>) target(%arg5 : memref<400xi32, #tpu.memory_space<vmem>>) target_semaphore(%run_scoped3A : memref<!tpu.dma_semaphore, #tpu.memory_space<semaphore_mem>>)
      %dma_wait3A_546 = tpu.memref_slice %arg2[%add3A_138] : memref<819200xi32, #tpu.memory_space<hbm>> -> memref<400xi32, #tpu.memory_space<hbm>>
      %dma_wait3A_547 = tpu.memref_slice %arg2[%add3A_138] : memref<819200xi32, #tpu.memory_space<hbm>> -> memref<400xi32, #tpu.memory_space<hbm>>
      tpu.wait_dma2 semaphore(%run_scoped3A : memref<!tpu.dma_semaphore, #tpu.memory_space<semaphore_mem>>) src(%dma_wait3A_547 : memref<400xi32, #tpu.memory_space<hbm>>) dst(%arg5 : memref<400xi32, #tpu.memory_space<vmem>>)
      tpu.yield
    }) : () -> ()
    %dma_wait3A_139 = arith.constant 0 : i32
    %dma_wait3A_140 = arith.constant 0 : i32
    %dma_wait3A_141 = tpu.memref_slice %arg8[%dma_wait3A_139, %dma_wait3A_140] : memref<400x128xf32, #tpu.memory_space<vmem>> -> memref<128x128xf32, #tpu.memory_space<vmem>>
    %dma_wait3A_142 = arith.constant 0 : i32
    %dma_wait3A_143 = tpu.memref_slice %arg6[%dma_wait3A_142] : memref<400xi32, #tpu.memory_space<vmem>> -> memref<128xi32, #tpu.memory_space<vmem>>
    %dma_wait3A_144 = arith.constant 0 : i32
    %dma_wait3A_145 = arith.constant 0 : i32
    %dma_wait3A_146 = tpu.memref_slice %arg3[%dma_wait3A_144, %dma_wait3A_145] : memref<1000000x128xf32, #tpu.memory_space<hbm>> -> memref<1000000x128xf32, #tpu.memory_space<hbm>>
    tpu.wait_indirect_dma semaphore(%arg9 : memref<!tpu.dma_semaphore, #tpu.memory_space<semaphore_mem>>) src(%dma_wait3A_146 : memref<1000000x128xf32, #tpu.memory_space<hbm>>) dst(%dma_wait3A_141 : memref<128x128xf32, #tpu.memory_space<vmem>>)
    %dma_wait3A_147 = arith.constant 128 : i32
    %dma_wait3A_148 = arith.constant 0 : i32
    %dma_wait3A_149 = tpu.memref_slice %arg8[%dma_wait3A_147, %dma_wait3A_148] : memref<400x128xf32, #tpu.memory_space<vmem>> -> memref<128x128xf32, #tpu.memory_space<vmem>>
    %dma_wait3A_150 = arith.constant 128 : i32
    %dma_wait3A_151 = tpu.memref_slice %arg6[%dma_wait3A_150] : memref<400xi32, #tpu.memory_space<vmem>> -> memref<128xi32, #tpu.memory_space<vmem>>
    %dma_wait3A_152 = arith.constant 0 : i32
    %dma_wait3A_153 = arith.constant 0 : i32
    %dma_wait3A_154 = tpu.memref_slice %arg3[%dma_wait3A_152, %dma_wait3A_153] : memref<1000000x128xf32, #tpu.memory_space<hbm>> -> memref<1000000x128xf32, #tpu.memory_space<hbm>>
    tpu.wait_indirect_dma semaphore(%arg9 : memref<!tpu.dma_semaphore, #tpu.memory_space<semaphore_mem>>) src(%dma_wait3A_154 : memref<1000000x128xf32, #tpu.memory_space<hbm>>) dst(%dma_wait3A_149 : memref<128x128xf32, #tpu.memory_space<vmem>>)
    %dma_wait3A_155 = arith.constant 256 : i32
    %dma_wait3A_156 = arith.constant 0 : i32
    %dma_wait3A_157 = tpu.memref_slice %arg8[%dma_wait3A_155, %dma_wait3A_156] : memref<400x128xf32, #tpu.memory_space<vmem>> -> memref<128x128xf32, #tpu.memory_space<vmem>>
    %dma_wait3A_158 = arith.constant 256 : i32
    %dma_wait3A_159 = tpu.memref_slice %arg6[%dma_wait3A_158] : memref<400xi32, #tpu.memory_space<vmem>> -> memref<128xi32, #tpu.memory_space<vmem>>
    %dma_wait3A_160 = arith.constant 0 : i32
    %dma_wait3A_161 = arith.constant 0 : i32
    %dma_wait3A_162 = tpu.memref_slice %arg3[%dma_wait3A_160, %dma_wait3A_161] : memref<1000000x128xf32, #tpu.memory_space<hbm>> -> memref<1000000x128xf32, #tpu.memory_space<hbm>>
    tpu.wait_indirect_dma semaphore(%arg9 : memref<!tpu.dma_semaphore, #tpu.memory_space<semaphore_mem>>) src(%dma_wait3A_162 : memref<1000000x128xf32, #tpu.memory_space<hbm>>) dst(%dma_wait3A_157 : memref<128x128xf32, #tpu.memory_space<vmem>>)
    %dma_wait3A_163 = arith.constant 384 : i32
    %dma_wait3A_164 = arith.constant 0 : i32
    %dma_wait3A_165 = tpu.memref_slice %arg8[%dma_wait3A_163, %dma_wait3A_164] : memref<400x128xf32, #tpu.memory_space<vmem>> -> memref<16x128xf32, #tpu.memory_space<vmem>>
    %dma_wait3A_166 = arith.constant 384 : i32
    %dma_wait3A_167 = tpu.memref_slice %arg6[%dma_wait3A_166] : memref<400xi32, #tpu.memory_space<vmem>> -> memref<16xi32, #tpu.memory_space<vmem>>
    %dma_wait3A_168 = arith.constant 0 : i32
    %dma_wait3A_169 = arith.constant 0 : i32
    %dma_wait3A_170 = tpu.memref_slice %arg3[%dma_wait3A_168, %dma_wait3A_169] : memref<1000000x128xf32, #tpu.memory_space<hbm>> -> memref<1000000x128xf32, #tpu.memory_space<hbm>>
    tpu.wait_indirect_dma semaphore(%arg9 : memref<!tpu.dma_semaphore, #tpu.memory_space<semaphore_mem>>) src(%dma_wait3A_170 : memref<1000000x128xf32, #tpu.memory_space<hbm>>) dst(%dma_wait3A_165 : memref<16x128xf32, #tpu.memory_space<vmem>>)
    %add3A_171 = arith.constant 2 : i32
    %add3A_172 = arith.addi %mul3A_4, %add3A_171 : i32
    %add3A_173 = arith.constant 0 : i32
    %add3A_174 = arith.addi %add3A_172, %add3A_173 : i32
    %add3A_175 = arith.constant 1 : i32
    %add3A_176 = arith.addi %add3A_172, %add3A_175 : i32
    %dma_start3A_177 = arith.constant 0 : i32
    %dma_start3A_178 = arith.constant 0 : i32
    %dma_start3A_179 = tpu.memref_slice %arg8[%dma_start3A_177, %dma_start3A_178] : memref<400x128xf32, #tpu.memory_space<vmem>> -> memref<200x128xf32, #tpu.memory_space<vmem>>
    %dma_start3A_180 = arith.constant 0 : i32
    %dma_start3A_181 = arith.constant 0 : i32
    %dma_start3A_182 = tpu.memref_slice %arg4[%add3A_174, %dma_start3A_180, %dma_start3A_181] : memref<4096x200x128xf32, #tpu.memory_space<hbm>> -> memref<1x200x128xf32, #tpu.memory_space<hbm>>
    %dma_start3A_183 = tpu.memref_squeeze %dma_start3A_182 : memref<1x200x128xf32, #tpu.memory_space<hbm>> -> memref<200x128xf32, #tpu.memory_space<hbm>>
    %dma_start3A_184 = arith.constant 0 : i32
    %dma_start3A_185 = arith.constant 0 : i32
    %dma_start3A_186 = tpu.memref_slice %arg4[%add3A_174, %dma_start3A_184, %dma_start3A_185] : memref<4096x200x128xf32, #tpu.memory_space<hbm>> -> memref<1x200x128xf32, #tpu.memory_space<hbm>>
    %dma_start3A_187 = tpu.memref_squeeze %dma_start3A_186 : memref<1x200x128xf32, #tpu.memory_space<hbm>> -> memref<200x128xf32, #tpu.memory_space<hbm>>
    %dma_start3A_188 = arith.constant 0 : i32
    %dma_start3A_189 = arith.constant 0 : i32
    %dma_start3A_190 = tpu.memref_slice %arg8[%dma_start3A_188, %dma_start3A_189] : memref<400x128xf32, #tpu.memory_space<vmem>> -> memref<200x128xf32, #tpu.memory_space<vmem>>
    tpu.enqueue_dma source(%dma_start3A_190 : memref<200x128xf32, #tpu.memory_space<vmem>>) target(%dma_start3A_187 : memref<200x128xf32, #tpu.memory_space<hbm>>) target_semaphore(%arg11 : memref<!tpu.dma_semaphore, #tpu.memory_space<semaphore_mem>>)
    %dma_start3A_191 = arith.constant 200 : i32
    %dma_start3A_192 = arith.constant 0 : i32
    %dma_start3A_193 = tpu.memref_slice %arg8[%dma_start3A_191, %dma_start3A_192] : memref<400x128xf32, #tpu.memory_space<vmem>> -> memref<200x128xf32, #tpu.memory_space<vmem>>
    %dma_start3A_194 = arith.constant 0 : i32
    %dma_start3A_195 = arith.constant 0 : i32
    %dma_start3A_196 = tpu.memref_slice %arg4[%add3A_176, %dma_start3A_194, %dma_start3A_195] : memref<4096x200x128xf32, #tpu.memory_space<hbm>> -> memref<1x200x128xf32, #tpu.memory_space<hbm>>
    %dma_start3A_197 = tpu.memref_squeeze %dma_start3A_196 : memref<1x200x128xf32, #tpu.memory_space<hbm>> -> memref<200x128xf32, #tpu.memory_space<hbm>>
    %dma_start3A_198 = arith.constant 0 : i32
    %dma_start3A_199 = arith.constant 0 : i32
    %dma_start3A_200 = tpu.memref_slice %arg4[%add3A_176, %dma_start3A_198, %dma_start3A_199] : memref<4096x200x128xf32, #tpu.memory_space<hbm>> -> memref<1x200x128xf32, #tpu.memory_space<hbm>>
    %dma_start3A_201 = tpu.memref_squeeze %dma_start3A_200 : memref<1x200x128xf32, #tpu.memory_space<hbm>> -> memref<200x128xf32, #tpu.memory_space<hbm>>
    %dma_start3A_202 = arith.constant 200 : i32
    %dma_start3A_203 = arith.constant 0 : i32
    %dma_start3A_204 = tpu.memref_slice %arg8[%dma_start3A_202, %dma_start3A_203] : memref<400x128xf32, #tpu.memory_space<vmem>> -> memref<200x128xf32, #tpu.memory_space<vmem>>
    tpu.enqueue_dma source(%dma_start3A_204 : memref<200x128xf32, #tpu.memory_space<vmem>>) target(%dma_start3A_201 : memref<200x128xf32, #tpu.memory_space<hbm>>) target_semaphore(%arg11 : memref<!tpu.dma_semaphore, #tpu.memory_space<semaphore_mem>>)
    %scan3A = arith.constant 0 : i32
    %scan3A_205 = arith.constant 1 : i32
    %scan3A_206 = arith.constant 30 : i32
    %scan3A_207 = arith.addi %scan3A_205, %scan3A_206 : i32
    %scan3A_208 = arith.constant 1 : i32
    scf.for %scan3A_544 = %scan3A_205 to %scan3A_207 step %scan3A_208  : i32 {
      %mul3A_545 = arith.constant 2 : i32
      %mul3A_546 = arith.muli %mul3A_545, %scan3A_544 : i32
      %sub3A = arith.constant 2 : i32
      %sub3A_547 = arith.subi %mul3A_546, %sub3A : i32
      %mul3A_548 = arith.constant 2 : i32
      %mul3A_549 = arith.muli %sub3A_547, %mul3A_548 : i32
      %add3A_550 = arith.addi %mul3A_4, %mul3A_549 : i32
      %add3A_551 = arith.constant 0 : i32
      %add3A_552 = arith.addi %add3A_550, %add3A_551 : i32
      %add3A_553 = arith.constant 1 : i32
      %add3A_554 = arith.addi %add3A_550, %add3A_553 : i32
      %dma_wait3A_555 = arith.constant 0 : i32
      %dma_wait3A_556 = arith.constant 0 : i32
      %dma_wait3A_557 = tpu.memref_slice %arg7[%dma_wait3A_555, %dma_wait3A_556] : memref<400x128xf32, #tpu.memory_space<vmem>> -> memref<200x128xf32, #tpu.memory_space<vmem>>
      %dma_wait3A_558 = arith.constant 0 : i32
      %dma_wait3A_559 = arith.constant 0 : i32
      %dma_wait3A_560 = tpu.memref_slice %arg4[%add3A_552, %dma_wait3A_558, %dma_wait3A_559] : memref<4096x200x128xf32, #tpu.memory_space<hbm>> -> memref<1x200x128xf32, #tpu.memory_space<hbm>>
      %dma_wait3A_561 = tpu.memref_squeeze %dma_wait3A_560 : memref<1x200x128xf32, #tpu.memory_space<hbm>> -> memref<200x128xf32, #tpu.memory_space<hbm>>
      %dma_wait3A_562 = arith.constant 0 : i32
      %dma_wait3A_563 = arith.constant 0 : i32
      %dma_wait3A_564 = tpu.memref_slice %arg4[%add3A_552, %dma_wait3A_562, %dma_wait3A_563] : memref<4096x200x128xf32, #tpu.memory_space<hbm>> -> memref<1x200x128xf32, #tpu.memory_space<hbm>>
      %dma_wait3A_565 = tpu.memref_squeeze %dma_wait3A_564 : memref<1x200x128xf32, #tpu.memory_space<hbm>> -> memref<200x128xf32, #tpu.memory_space<hbm>>
      %dma_wait3A_566 = arith.constant 0 : i32
      %dma_wait3A_567 = arith.constant 0 : i32
      %dma_wait3A_568 = tpu.memref_slice %arg7[%dma_wait3A_566, %dma_wait3A_567] : memref<400x128xf32, #tpu.memory_space<vmem>> -> memref<200x128xf32, #tpu.memory_space<vmem>>
      tpu.wait_dma2 semaphore(%arg10 : memref<!tpu.dma_semaphore, #tpu.memory_space<semaphore_mem>>) src(%dma_wait3A_568 : memref<200x128xf32, #tpu.memory_space<vmem>>) dst(%dma_wait3A_565 : memref<200x128xf32, #tpu.memory_space<hbm>>)
      %dma_wait3A_569 = arith.constant 200 : i32
      %dma_wait3A_570 = arith.constant 0 : i32
      %dma_wait3A_571 = tpu.memref_slice %arg7[%dma_wait3A_569, %dma_wait3A_570] : memref<400x128xf32, #tpu.memory_space<vmem>> -> memref<200x128xf32, #tpu.memory_space<vmem>>
      %dma_wait3A_572 = arith.constant 0 : i32
      %dma_wait3A_573 = arith.constant 0 : i32
      %dma_wait3A_574 = tpu.memref_slice %arg4[%add3A_554, %dma_wait3A_572, %dma_wait3A_573] : memref<4096x200x128xf32, #tpu.memory_space<hbm>> -> memref<1x200x128xf32, #tpu.memory_space<hbm>>
      %dma_wait3A_575 = tpu.memref_squeeze %dma_wait3A_574 : memref<1x200x128xf32, #tpu.memory_space<hbm>> -> memref<200x128xf32, #tpu.memory_space<hbm>>
      %dma_wait3A_576 = arith.constant 0 : i32
      %dma_wait3A_577 = arith.constant 0 : i32
      %dma_wait3A_578 = tpu.memref_slice %arg4[%add3A_554, %dma_wait3A_576, %dma_wait3A_577] : memref<4096x200x128xf32, #tpu.memory_space<hbm>> -> memref<1x200x128xf32, #tpu.memory_space<hbm>>
      %dma_wait3A_579 = tpu.memref_squeeze %dma_wait3A_578 : memref<1x200x128xf32, #tpu.memory_space<hbm>> -> memref<200x128xf32, #tpu.memory_space<hbm>>
      %dma_wait3A_580 = arith.constant 200 : i32
      %dma_wait3A_581 = arith.constant 0 : i32
      %dma_wait3A_582 = tpu.memref_slice %arg7[%dma_wait3A_580, %dma_wait3A_581] : memref<400x128xf32, #tpu.memory_space<vmem>> -> memref<200x128xf32, #tpu.memory_space<vmem>>
      tpu.wait_dma2 semaphore(%arg10 : memref<!tpu.dma_semaphore, #tpu.memory_space<semaphore_mem>>) src(%dma_wait3A_582 : memref<200x128xf32, #tpu.memory_space<vmem>>) dst(%dma_wait3A_579 : memref<200x128xf32, #tpu.memory_space<hbm>>)
      %dma_start3A_583 = arith.constant 0 : i32
      %dma_start3A_584 = arith.constant 0 : i32
      %dma_start3A_585 = tpu.memref_slice %arg7[%dma_start3A_583, %dma_start3A_584] : memref<400x128xf32, #tpu.memory_space<vmem>> -> memref<128x128xf32, #tpu.memory_space<vmem>>
      %dma_start3A_586 = arith.constant 0 : i32
      %dma_start3A_587 = tpu.memref_slice %arg5[%dma_start3A_586] : memref<400xi32, #tpu.memory_space<vmem>> -> memref<128xi32, #tpu.memory_space<vmem>>
      %dma_start3A_588 = arith.constant 0 : i32
      %dma_start3A_589 = arith.constant 0 : i32
      %dma_start3A_590 = tpu.memref_slice %arg3[%dma_start3A_588, %dma_start3A_589] : memref<1000000x128xf32, #tpu.memory_space<hbm>> -> memref<1000000x128xf32, #tpu.memory_space<hbm>>
      tpu.enqueue_indirect_dma source(%dma_start3A_590 : memref<1000000x128xf32, #tpu.memory_space<hbm>>) target(%dma_start3A_585 : memref<128x128xf32, #tpu.memory_space<vmem>>) offsets(%dma_start3A_587 : memref<128xi32, #tpu.memory_space<vmem>>) semaphore(%arg9 : memref<!tpu.dma_semaphore, #tpu.memory_space<semaphore_mem>>)
      %dma_start3A_591 = arith.constant 128 : i32
      %dma_start3A_592 = arith.constant 0 : i32
      %dma_start3A_593 = tpu.memref_slice %arg7[%dma_start3A_591, %dma_start3A_592] : memref<400x128xf32, #tpu.memory_space<vmem>> -> memref<128x128xf32, #tpu.memory_space<vmem>>
      %dma_start3A_594 = arith.constant 128 : i32
      %dma_start3A_595 = tpu.memref_slice %arg5[%dma_start3A_594] : memref<400xi32, #tpu.memory_space<vmem>> -> memref<128xi32, #tpu.memory_space<vmem>>
      %dma_start3A_596 = arith.constant 0 : i32
      %dma_start3A_597 = arith.constant 0 : i32
      %dma_start3A_598 = tpu.memref_slice %arg3[%dma_start3A_596, %dma_start3A_597] : memref<1000000x128xf32, #tpu.memory_space<hbm>> -> memref<1000000x128xf32, #tpu.memory_space<hbm>>
      tpu.enqueue_indirect_dma source(%dma_start3A_598 : memref<1000000x128xf32, #tpu.memory_space<hbm>>) target(%dma_start3A_593 : memref<128x128xf32, #tpu.memory_space<vmem>>) offsets(%dma_start3A_595 : memref<128xi32, #tpu.memory_space<vmem>>) semaphore(%arg9 : memref<!tpu.dma_semaphore, #tpu.memory_space<semaphore_mem>>)
      %dma_start3A_599 = arith.constant 256 : i32
      %dma_start3A_600 = arith.constant 0 : i32
      %dma_start3A_601 = tpu.memref_slice %arg7[%dma_start3A_599, %dma_start3A_600] : memref<400x128xf32, #tpu.memory_space<vmem>> -> memref<128x128xf32, #tpu.memory_space<vmem>>
      %dma_start3A_602 = arith.constant 256 : i32
      %dma_start3A_603 = tpu.memref_slice %arg5[%dma_start3A_602] : memref<400xi32, #tpu.memory_space<vmem>> -> memref<128xi32, #tpu.memory_space<vmem>>
      %dma_start3A_604 = arith.constant 0 : i32
      %dma_start3A_605 = arith.constant 0 : i32
      %dma_start3A_606 = tpu.memref_slice %arg3[%dma_start3A_604, %dma_start3A_605] : memref<1000000x128xf32, #tpu.memory_space<hbm>> -> memref<1000000x128xf32, #tpu.memory_space<hbm>>
      tpu.enqueue_indirect_dma source(%dma_start3A_606 : memref<1000000x128xf32, #tpu.memory_space<hbm>>) target(%dma_start3A_601 : memref<128x128xf32, #tpu.memory_space<vmem>>) offsets(%dma_start3A_603 : memref<128xi32, #tpu.memory_space<vmem>>) semaphore(%arg9 : memref<!tpu.dma_semaphore, #tpu.memory_space<semaphore_mem>>)
      %dma_start3A_607 = arith.constant 384 : i32
      %dma_start3A_608 = arith.constant 0 : i32
      %dma_start3A_609 = tpu.memref_slice %arg7[%dma_start3A_607, %dma_start3A_608] : memref<400x128xf32, #tpu.memory_space<vmem>> -> memref<16x128xf32, #tpu.memory_space<vmem>>
      %dma_start3A_610 = arith.constant 384 : i32
      %dma_start3A_611 = tpu.memref_slice %arg5[%dma_start3A_610] : memref<400xi32, #tpu.memory_space<vmem>> -> memref<16xi32, #tpu.memory_space<vmem>>
      %dma_start3A_612 = arith.constant 0 : i32
      %dma_start3A_613 = arith.constant 0 : i32
      %dma_start3A_614 = tpu.memref_slice %arg3[%dma_start3A_612, %dma_start3A_613] : memref<1000000x128xf32, #tpu.memory_space<hbm>> -> memref<1000000x128xf32, #tpu.memory_space<hbm>>
      tpu.enqueue_indirect_dma source(%dma_start3A_614 : memref<1000000x128xf32, #tpu.memory_space<hbm>>) target(%dma_start3A_609 : memref<16x128xf32, #tpu.memory_space<vmem>>) offsets(%dma_start3A_611 : memref<16xi32, #tpu.memory_space<vmem>>) semaphore(%arg9 : memref<!tpu.dma_semaphore, #tpu.memory_space<semaphore_mem>>)
      %add3A_615 = arith.constant 1 : i32
      %add3A_616 = arith.addi %mul3A_546, %add3A_615 : i32
      %mul3A_617 = arith.constant 400 : i32
      %mul3A_618 = arith.muli %add3A_616, %mul3A_617 : i32
      %add3A_619 = arith.addi %mul3A_2, %mul3A_618 : i32
      "tpu.region"() ({
        %run_scoped3A = tpu.sem_alloc : memref<!tpu.dma_semaphore, #tpu.memory_space<semaphore_mem>>
        %dma_start3A_832 = tpu.memref_slice %arg2[%add3A_619] : memref<819200xi32, #tpu.memory_space<hbm>> -> memref<400xi32, #tpu.memory_space<hbm>>
        %dma_start3A_833 = tpu.memref_slice %arg2[%add3A_619] : memref<819200xi32, #tpu.memory_space<hbm>> -> memref<400xi32, #tpu.memory_space<hbm>>
        tpu.enqueue_dma source(%dma_start3A_833 : memref<400xi32, #tpu.memory_space<hbm>>) target(%arg6 : memref<400xi32, #tpu.memory_space<vmem>>) target_semaphore(%run_scoped3A : memref<!tpu.dma_semaphore, #tpu.memory_space<semaphore_mem>>)
        %dma_wait3A_834 = tpu.memref_slice %arg2[%add3A_619] : memref<819200xi32, #tpu.memory_space<hbm>> -> memref<400xi32, #tpu.memory_space<hbm>>
        %dma_wait3A_835 = tpu.memref_slice %arg2[%add3A_619] : memref<819200xi32, #tpu.memory_space<hbm>> -> memref<400xi32, #tpu.memory_space<hbm>>
        tpu.wait_dma2 semaphore(%run_scoped3A : memref<!tpu.dma_semaphore, #tpu.memory_space<semaphore_mem>>) src(%dma_wait3A_835 : memref<400xi32, #tpu.memory_space<hbm>>) dst(%arg6 : memref<400xi32, #tpu.memory_space<vmem>>)
        tpu.yield
      }) : () -> ()
      %dma_wait3A_620 = arith.constant 0 : i32
      %dma_wait3A_621 = arith.constant 0 : i32
      %dma_wait3A_622 = tpu.memref_slice %arg7[%dma_wait3A_620, %dma_wait3A_621] : memref<400x128xf32, #tpu.memory_space<vmem>> -> memref<128x128xf32, #tpu.memory_space<vmem>>
      %dma_wait3A_623 = arith.constant 0 : i32
      %dma_wait3A_624 = tpu.memref_slice %arg5[%dma_wait3A_623] : memref<400xi32, #tpu.memory_space<vmem>> -> memref<128xi32, #tpu.memory_space<vmem>>
      %dma_wait3A_625 = arith.constant 0 : i32
      %dma_wait3A_626 = arith.constant 0 : i32
      %dma_wait3A_627 = tpu.memref_slice %arg3[%dma_wait3A_625, %dma_wait3A_626] : memref<1000000x128xf32, #tpu.memory_space<hbm>> -> memref<1000000x128xf32, #tpu.memory_space<hbm>>
      tpu.wait_indirect_dma semaphore(%arg9 : memref<!tpu.dma_semaphore, #tpu.memory_space<semaphore_mem>>) src(%dma_wait3A_627 : memref<1000000x128xf32, #tpu.memory_space<hbm>>) dst(%dma_wait3A_622 : memref<128x128xf32, #tpu.memory_space<vmem>>)
      %dma_wait3A_628 = arith.constant 128 : i32
      %dma_wait3A_629 = arith.constant 0 : i32
      %dma_wait3A_630 = tpu.memref_slice %arg7[%dma_wait3A_628, %dma_wait3A_629] : memref<400x128xf32, #tpu.memory_space<vmem>> -> memref<128x128xf32, #tpu.memory_space<vmem>>
      %dma_wait3A_631 = arith.constant 128 : i32
      %dma_wait3A_632 = tpu.memref_slice %arg5[%dma_wait3A_631] : memref<400xi32, #tpu.memory_space<vmem>> -> memref<128xi32, #tpu.memory_space<vmem>>
      %dma_wait3A_633 = arith.constant 0 : i32
      %dma_wait3A_634 = arith.constant 0 : i32
      %dma_wait3A_635 = tpu.memref_slice %arg3[%dma_wait3A_633, %dma_wait3A_634] : memref<1000000x128xf32, #tpu.memory_space<hbm>> -> memref<1000000x128xf32, #tpu.memory_space<hbm>>
      tpu.wait_indirect_dma semaphore(%arg9 : memref<!tpu.dma_semaphore, #tpu.memory_space<semaphore_mem>>) src(%dma_wait3A_635 : memref<1000000x128xf32, #tpu.memory_space<hbm>>) dst(%dma_wait3A_630 : memref<128x128xf32, #tpu.memory_space<vmem>>)
      %dma_wait3A_636 = arith.constant 256 : i32
      %dma_wait3A_637 = arith.constant 0 : i32
      %dma_wait3A_638 = tpu.memref_slice %arg7[%dma_wait3A_636, %dma_wait3A_637] : memref<400x128xf32, #tpu.memory_space<vmem>> -> memref<128x128xf32, #tpu.memory_space<vmem>>
      %dma_wait3A_639 = arith.constant 256 : i32
      %dma_wait3A_640 = tpu.memref_slice %arg5[%dma_wait3A_639] : memref<400xi32, #tpu.memory_space<vmem>> -> memref<128xi32, #tpu.memory_space<vmem>>
      %dma_wait3A_641 = arith.constant 0 : i32
      %dma_wait3A_642 = arith.constant 0 : i32
      %dma_wait3A_643 = tpu.memref_slice %arg3[%dma_wait3A_641, %dma_wait3A_642] : memref<1000000x128xf32, #tpu.memory_space<hbm>> -> memref<1000000x128xf32, #tpu.memory_space<hbm>>
      tpu.wait_indirect_dma semaphore(%arg9 : memref<!tpu.dma_semaphore, #tpu.memory_space<semaphore_mem>>) src(%dma_wait3A_643 : memref<1000000x128xf32, #tpu.memory_space<hbm>>) dst(%dma_wait3A_638 : memref<128x128xf32, #tpu.memory_space<vmem>>)
      %dma_wait3A_644 = arith.constant 384 : i32
      %dma_wait3A_645 = arith.constant 0 : i32
      %dma_wait3A_646 = tpu.memref_slice %arg7[%dma_wait3A_644, %dma_wait3A_645] : memref<400x128xf32, #tpu.memory_space<vmem>> -> memref<16x128xf32, #tpu.memory_space<vmem>>
      %dma_wait3A_647 = arith.constant 384 : i32
      %dma_wait3A_648 = tpu.memref_slice %arg5[%dma_wait3A_647] : memref<400xi32, #tpu.memory_space<vmem>> -> memref<16xi32, #tpu.memory_space<vmem>>
      %dma_wait3A_649 = arith.constant 0 : i32
      %dma_wait3A_650 = arith.constant 0 : i32
      %dma_wait3A_651 = tpu.memref_slice %arg3[%dma_wait3A_649, %dma_wait3A_650] : memref<1000000x128xf32, #tpu.memory_space<hbm>> -> memref<1000000x128xf32, #tpu.memory_space<hbm>>
      tpu.wait_indirect_dma semaphore(%arg9 : memref<!tpu.dma_semaphore, #tpu.memory_space<semaphore_mem>>) src(%dma_wait3A_651 : memref<1000000x128xf32, #tpu.memory_space<hbm>>) dst(%dma_wait3A_646 : memref<16x128xf32, #tpu.memory_space<vmem>>)
      %mul3A_652 = arith.constant 2 : i32
      %mul3A_653 = arith.muli %mul3A_546, %mul3A_652 : i32
      %add3A_654 = arith.addi %mul3A_4, %mul3A_653 : i32
      %add3A_655 = arith.constant 0 : i32
      %add3A_656 = arith.addi %add3A_654, %add3A_655 : i32
      %add3A_657 = arith.constant 1 : i32
      %add3A_658 = arith.addi %add3A_654, %add3A_657 : i32
      %dma_start3A_659 = arith.constant 0 : i32
      %dma_start3A_660 = arith.constant 0 : i32
      %dma_start3A_661 = tpu.memref_slice %arg7[%dma_start3A_659, %dma_start3A_660] : memref<400x128xf32, #tpu.memory_space<vmem>> -> memref<200x128xf32, #tpu.memory_space<vmem>>
      %dma_start3A_662 = arith.constant 0 : i32
      %dma_start3A_663 = arith.constant 0 : i32
      %dma_start3A_664 = tpu.memref_slice %arg4[%add3A_656, %dma_start3A_662, %dma_start3A_663] : memref<4096x200x128xf32, #tpu.memory_space<hbm>> -> memref<1x200x128xf32, #tpu.memory_space<hbm>>
      %dma_start3A_665 = tpu.memref_squeeze %dma_start3A_664 : memref<1x200x128xf32, #tpu.memory_space<hbm>> -> memref<200x128xf32, #tpu.memory_space<hbm>>
      %dma_start3A_666 = arith.constant 0 : i32
      %dma_start3A_667 = arith.constant 0 : i32
      %dma_start3A_668 = tpu.memref_slice %arg4[%add3A_656, %dma_start3A_666, %dma_start3A_667] : memref<4096x200x128xf32, #tpu.memory_space<hbm>> -> memref<1x200x128xf32, #tpu.memory_space<hbm>>
      %dma_start3A_669 = tpu.memref_squeeze %dma_start3A_668 : memref<1x200x128xf32, #tpu.memory_space<hbm>> -> memref<200x128xf32, #tpu.memory_space<hbm>>
      %dma_start3A_670 = arith.constant 0 : i32
      %dma_start3A_671 = arith.constant 0 : i32
      %dma_start3A_672 = tpu.memref_slice %arg7[%dma_start3A_670, %dma_start3A_671] : memref<400x128xf32, #tpu.memory_space<vmem>> -> memref<200x128xf32, #tpu.memory_space<vmem>>
      tpu.enqueue_dma source(%dma_start3A_672 : memref<200x128xf32, #tpu.memory_space<vmem>>) target(%dma_start3A_669 : memref<200x128xf32, #tpu.memory_space<hbm>>) target_semaphore(%arg10 : memref<!tpu.dma_semaphore, #tpu.memory_space<semaphore_mem>>)
      %dma_start3A_673 = arith.constant 200 : i32
      %dma_start3A_674 = arith.constant 0 : i32
      %dma_start3A_675 = tpu.memref_slice %arg7[%dma_start3A_673, %dma_start3A_674] : memref<400x128xf32, #tpu.memory_space<vmem>> -> memref<200x128xf32, #tpu.memory_space<vmem>>
      %dma_start3A_676 = arith.constant 0 : i32
      %dma_start3A_677 = arith.constant 0 : i32
      %dma_start3A_678 = tpu.memref_slice %arg4[%add3A_658, %dma_start3A_676, %dma_start3A_677] : memref<4096x200x128xf32, #tpu.memory_space<hbm>> -> memref<1x200x128xf32, #tpu.memory_space<hbm>>
      %dma_start3A_679 = tpu.memref_squeeze %dma_start3A_678 : memref<1x200x128xf32, #tpu.memory_space<hbm>> -> memref<200x128xf32, #tpu.memory_space<hbm>>
      %dma_start3A_680 = arith.constant 0 : i32
      %dma_start3A_681 = arith.constant 0 : i32
      %dma_start3A_682 = tpu.memref_slice %arg4[%add3A_658, %dma_start3A_680, %dma_start3A_681] : memref<4096x200x128xf32, #tpu.memory_space<hbm>> -> memref<1x200x128xf32, #tpu.memory_space<hbm>>
      %dma_start3A_683 = tpu.memref_squeeze %dma_start3A_682 : memref<1x200x128xf32, #tpu.memory_space<hbm>> -> memref<200x128xf32, #tpu.memory_space<hbm>>
      %dma_start3A_684 = arith.constant 200 : i32
      %dma_start3A_685 = arith.constant 0 : i32
      %dma_start3A_686 = tpu.memref_slice %arg7[%dma_start3A_684, %dma_start3A_685] : memref<400x128xf32, #tpu.memory_space<vmem>> -> memref<200x128xf32, #tpu.memory_space<vmem>>
      tpu.enqueue_dma source(%dma_start3A_686 : memref<200x128xf32, #tpu.memory_space<vmem>>) target(%dma_start3A_683 : memref<200x128xf32, #tpu.memory_space<hbm>>) target_semaphore(%arg10 : memref<!tpu.dma_semaphore, #tpu.memory_space<semaphore_mem>>)
      %mul3A_687 = arith.constant 2 : i32
      %mul3A_688 = arith.muli %mul3A_687, %scan3A_544 : i32
      %add3A_689 = arith.constant 1 : i32
      %add3A_690 = arith.addi %mul3A_688, %add3A_689 : i32
      %sub3A_691 = arith.constant 2 : i32
      %sub3A_692 = arith.subi %add3A_690, %sub3A_691 : i32
      %mul3A_693 = arith.constant 2 : i32
      %mul3A_694 = arith.muli %sub3A_692, %mul3A_693 : i32
      %add3A_695 = arith.addi %mul3A_4, %mul3A_694 : i32
      %add3A_696 = arith.constant 0 : i32
      %add3A_697 = arith.addi %add3A_695, %add3A_696 : i32
      %add3A_698 = arith.constant 1 : i32
      %add3A_699 = arith.addi %add3A_695, %add3A_698 : i32
      %dma_wait3A_700 = arith.constant 0 : i32
      %dma_wait3A_701 = arith.constant 0 : i32
      %dma_wait3A_702 = tpu.memref_slice %arg8[%dma_wait3A_700, %dma_wait3A_701] : memref<400x128xf32, #tpu.memory_space<vmem>> -> memref<200x128xf32, #tpu.memory_space<vmem>>
      %dma_wait3A_703 = arith.constant 0 : i32
      %dma_wait3A_704 = arith.constant 0 : i32
      %dma_wait3A_705 = tpu.memref_slice %arg4[%add3A_697, %dma_wait3A_703, %dma_wait3A_704] : memref<4096x200x128xf32, #tpu.memory_space<hbm>> -> memref<1x200x128xf32, #tpu.memory_space<hbm>>
      %dma_wait3A_706 = tpu.memref_squeeze %dma_wait3A_705 : memref<1x200x128xf32, #tpu.memory_space<hbm>> -> memref<200x128xf32, #tpu.memory_space<hbm>>
      %dma_wait3A_707 = arith.constant 0 : i32
      %dma_wait3A_708 = arith.constant 0 : i32
      %dma_wait3A_709 = tpu.memref_slice %arg4[%add3A_697, %dma_wait3A_707, %dma_wait3A_708] : memref<4096x200x128xf32, #tpu.memory_space<hbm>> -> memref<1x200x128xf32, #tpu.memory_space<hbm>>
      %dma_wait3A_710 = tpu.memref_squeeze %dma_wait3A_709 : memref<1x200x128xf32, #tpu.memory_space<hbm>> -> memref<200x128xf32, #tpu.memory_space<hbm>>
      %dma_wait3A_711 = arith.constant 0 : i32
      %dma_wait3A_712 = arith.constant 0 : i32
      %dma_wait3A_713 = tpu.memref_slice %arg8[%dma_wait3A_711, %dma_wait3A_712] : memref<400x128xf32, #tpu.memory_space<vmem>> -> memref<200x128xf32, #tpu.memory_space<vmem>>
      tpu.wait_dma2 semaphore(%arg11 : memref<!tpu.dma_semaphore, #tpu.memory_space<semaphore_mem>>) src(%dma_wait3A_713 : memref<200x128xf32, #tpu.memory_space<vmem>>) dst(%dma_wait3A_710 : memref<200x128xf32, #tpu.memory_space<hbm>>)
      %dma_wait3A_714 = arith.constant 200 : i32
      %dma_wait3A_715 = arith.constant 0 : i32
      %dma_wait3A_716 = tpu.memref_slice %arg8[%dma_wait3A_714, %dma_wait3A_715] : memref<400x128xf32, #tpu.memory_space<vmem>> -> memref<200x128xf32, #tpu.memory_space<vmem>>
      %dma_wait3A_717 = arith.constant 0 : i32
      %dma_wait3A_718 = arith.constant 0 : i32
      %dma_wait3A_719 = tpu.memref_slice %arg4[%add3A_699, %dma_wait3A_717, %dma_wait3A_718] : memref<4096x200x128xf32, #tpu.memory_space<hbm>> -> memref<1x200x128xf32, #tpu.memory_space<hbm>>
      %dma_wait3A_720 = tpu.memref_squeeze %dma_wait3A_719 : memref<1x200x128xf32, #tpu.memory_space<hbm>> -> memref<200x128xf32, #tpu.memory_space<hbm>>
      %dma_wait3A_721 = arith.constant 0 : i32
      %dma_wait3A_722 = arith.constant 0 : i32
      %dma_wait3A_723 = tpu.memref_slice %arg4[%add3A_699, %dma_wait3A_721, %dma_wait3A_722] : memref<4096x200x128xf32, #tpu.memory_space<hbm>> -> memref<1x200x128xf32, #tpu.memory_space<hbm>>
      %dma_wait3A_724 = tpu.memref_squeeze %dma_wait3A_723 : memref<1x200x128xf32, #tpu.memory_space<hbm>> -> memref<200x128xf32, #tpu.memory_space<hbm>>
      %dma_wait3A_725 = arith.constant 200 : i32
      %dma_wait3A_726 = arith.constant 0 : i32
      %dma_wait3A_727 = tpu.memref_slice %arg8[%dma_wait3A_725, %dma_wait3A_726] : memref<400x128xf32, #tpu.memory_space<vmem>> -> memref<200x128xf32, #tpu.memory_space<vmem>>
      tpu.wait_dma2 semaphore(%arg11 : memref<!tpu.dma_semaphore, #tpu.memory_space<semaphore_mem>>) src(%dma_wait3A_727 : memref<200x128xf32, #tpu.memory_space<vmem>>) dst(%dma_wait3A_724 : memref<200x128xf32, #tpu.memory_space<hbm>>)
      %dma_start3A_728 = arith.constant 0 : i32
      %dma_start3A_729 = arith.constant 0 : i32
      %dma_start3A_730 = tpu.memref_slice %arg8[%dma_start3A_728, %dma_start3A_729] : memref<400x128xf32, #tpu.memory_space<vmem>> -> memref<128x128xf32, #tpu.memory_space<vmem>>
      %dma_start3A_731 = arith.constant 0 : i32
      %dma_start3A_732 = tpu.memref_slice %arg6[%dma_start3A_731] : memref<400xi32, #tpu.memory_space<vmem>> -> memref<128xi32, #tpu.memory_space<vmem>>
      %dma_start3A_733 = arith.constant 0 : i32
      %dma_start3A_734 = arith.constant 0 : i32
      %dma_start3A_735 = tpu.memref_slice %arg3[%dma_start3A_733, %dma_start3A_734] : memref<1000000x128xf32, #tpu.memory_space<hbm>> -> memref<1000000x128xf32, #tpu.memory_space<hbm>>
      tpu.enqueue_indirect_dma source(%dma_start3A_735 : memref<1000000x128xf32, #tpu.memory_space<hbm>>) target(%dma_start3A_730 : memref<128x128xf32, #tpu.memory_space<vmem>>) offsets(%dma_start3A_732 : memref<128xi32, #tpu.memory_space<vmem>>) semaphore(%arg9 : memref<!tpu.dma_semaphore, #tpu.memory_space<semaphore_mem>>)
      %dma_start3A_736 = arith.constant 128 : i32
      %dma_start3A_737 = arith.constant 0 : i32
      %dma_start3A_738 = tpu.memref_slice %arg8[%dma_start3A_736, %dma_start3A_737] : memref<400x128xf32, #tpu.memory_space<vmem>> -> memref<128x128xf32, #tpu.memory_space<vmem>>
      %dma_start3A_739 = arith.constant 128 : i32
      %dma_start3A_740 = tpu.memref_slice %arg6[%dma_start3A_739] : memref<400xi32, #tpu.memory_space<vmem>> -> memref<128xi32, #tpu.memory_space<vmem>>
      %dma_start3A_741 = arith.constant 0 : i32
      %dma_start3A_742 = arith.constant 0 : i32
      %dma_start3A_743 = tpu.memref_slice %arg3[%dma_start3A_741, %dma_start3A_742] : memref<1000000x128xf32, #tpu.memory_space<hbm>> -> memref<1000000x128xf32, #tpu.memory_space<hbm>>
      tpu.enqueue_indirect_dma source(%dma_start3A_743 : memref<1000000x128xf32, #tpu.memory_space<hbm>>) target(%dma_start3A_738 : memref<128x128xf32, #tpu.memory_space<vmem>>) offsets(%dma_start3A_740 : memref<128xi32, #tpu.memory_space<vmem>>) semaphore(%arg9 : memref<!tpu.dma_semaphore, #tpu.memory_space<semaphore_mem>>)
      %dma_start3A_744 = arith.constant 256 : i32
      %dma_start3A_745 = arith.constant 0 : i32
      %dma_start3A_746 = tpu.memref_slice %arg8[%dma_start3A_744, %dma_start3A_745] : memref<400x128xf32, #tpu.memory_space<vmem>> -> memref<128x128xf32, #tpu.memory_space<vmem>>
      %dma_start3A_747 = arith.constant 256 : i32
      %dma_start3A_748 = tpu.memref_slice %arg6[%dma_start3A_747] : memref<400xi32, #tpu.memory_space<vmem>> -> memref<128xi32, #tpu.memory_space<vmem>>
      %dma_start3A_749 = arith.constant 0 : i32
      %dma_start3A_750 = arith.constant 0 : i32
      %dma_start3A_751 = tpu.memref_slice %arg3[%dma_start3A_749, %dma_start3A_750] : memref<1000000x128xf32, #tpu.memory_space<hbm>> -> memref<1000000x128xf32, #tpu.memory_space<hbm>>
      tpu.enqueue_indirect_dma source(%dma_start3A_751 : memref<1000000x128xf32, #tpu.memory_space<hbm>>) target(%dma_start3A_746 : memref<128x128xf32, #tpu.memory_space<vmem>>) offsets(%dma_start3A_748 : memref<128xi32, #tpu.memory_space<vmem>>) semaphore(%arg9 : memref<!tpu.dma_semaphore, #tpu.memory_space<semaphore_mem>>)
      %dma_start3A_752 = arith.constant 384 : i32
      %dma_start3A_753 = arith.constant 0 : i32
      %dma_start3A_754 = tpu.memref_slice %arg8[%dma_start3A_752, %dma_start3A_753] : memref<400x128xf32, #tpu.memory_space<vmem>> -> memref<16x128xf32, #tpu.memory_space<vmem>>
      %dma_start3A_755 = arith.constant 384 : i32
      %dma_start3A_756 = tpu.memref_slice %arg6[%dma_start3A_755] : memref<400xi32, #tpu.memory_space<vmem>> -> memref<16xi32, #tpu.memory_space<vmem>>
      %dma_start3A_757 = arith.constant 0 : i32
      %dma_start3A_758 = arith.constant 0 : i32
      %dma_start3A_759 = tpu.memref_slice %arg3[%dma_start3A_757, %dma_start3A_758] : memref<1000000x128xf32, #tpu.memory_space<hbm>> -> memref<1000000x128xf32, #tpu.memory_space<hbm>>
      tpu.enqueue_indirect_dma source(%dma_start3A_759 : memref<1000000x128xf32, #tpu.memory_space<hbm>>) target(%dma_start3A_754 : memref<16x128xf32, #tpu.memory_space<vmem>>) offsets(%dma_start3A_756 : memref<16xi32, #tpu.memory_space<vmem>>) semaphore(%arg9 : memref<!tpu.dma_semaphore, #tpu.memory_space<semaphore_mem>>)
      %add3A_760 = arith.constant 1 : i32
      %add3A_761 = arith.addi %add3A_690, %add3A_760 : i32
      %mul3A_762 = arith.constant 400 : i32
      %mul3A_763 = arith.muli %add3A_761, %mul3A_762 : i32
      %add3A_764 = arith.addi %mul3A_2, %mul3A_763 : i32
      "tpu.region"() ({
        %run_scoped3A = tpu.sem_alloc : memref<!tpu.dma_semaphore, #tpu.memory_space<semaphore_mem>>
        %dma_start3A_832 = tpu.memref_slice %arg2[%add3A_764] : memref<819200xi32, #tpu.memory_space<hbm>> -> memref<400xi32, #tpu.memory_space<hbm>>
        %dma_start3A_833 = tpu.memref_slice %arg2[%add3A_764] : memref<819200xi32, #tpu.memory_space<hbm>> -> memref<400xi32, #tpu.memory_space<hbm>>
        tpu.enqueue_dma source(%dma_start3A_833 : memref<400xi32, #tpu.memory_space<hbm>>) target(%arg5 : memref<400xi32, #tpu.memory_space<vmem>>) target_semaphore(%run_scoped3A : memref<!tpu.dma_semaphore, #tpu.memory_space<semaphore_mem>>)
        %dma_wait3A_834 = tpu.memref_slice %arg2[%add3A_764] : memref<819200xi32, #tpu.memory_space<hbm>> -> memref<400xi32, #tpu.memory_space<hbm>>
        %dma_wait3A_835 = tpu.memref_slice %arg2[%add3A_764] : memref<819200xi32, #tpu.memory_space<hbm>> -> memref<400xi32, #tpu.memory_space<hbm>>
        tpu.wait_dma2 semaphore(%run_scoped3A : memref<!tpu.dma_semaphore, #tpu.memory_space<semaphore_mem>>) src(%dma_wait3A_835 : memref<400xi32, #tpu.memory_space<hbm>>) dst(%arg5 : memref<400xi32, #tpu.memory_space<vmem>>)
        tpu.yield
      }) : () -> ()
      %dma_wait3A_765 = arith.constant 0 : i32
      %dma_wait3A_766 = arith.constant 0 : i32
      %dma_wait3A_767 = tpu.memref_slice %arg8[%dma_wait3A_765, %dma_wait3A_766] : memref<400x128xf32, #tpu.memory_space<vmem>> -> memref<128x128xf32, #tpu.memory_space<vmem>>
      %dma_wait3A_768 = arith.constant 0 : i32
      %dma_wait3A_769 = tpu.memref_slice %arg6[%dma_wait3A_768] : memref<400xi32, #tpu.memory_space<vmem>> -> memref<128xi32, #tpu.memory_space<vmem>>
      %dma_wait3A_770 = arith.constant 0 : i32
      %dma_wait3A_771 = arith.constant 0 : i32
      %dma_wait3A_772 = tpu.memref_slice %arg3[%dma_wait3A_770, %dma_wait3A_771] : memref<1000000x128xf32, #tpu.memory_space<hbm>> -> memref<1000000x128xf32, #tpu.memory_space<hbm>>
      tpu.wait_indirect_dma semaphore(%arg9 : memref<!tpu.dma_semaphore, #tpu.memory_space<semaphore_mem>>) src(%dma_wait3A_772 : memref<1000000x128xf32, #tpu.memory_space<hbm>>) dst(%dma_wait3A_767 : memref<128x128xf32, #tpu.memory_space<vmem>>)
      %dma_wait3A_773 = arith.constant 128 : i32
      %dma_wait3A_774 = arith.constant 0 : i32
      %dma_wait3A_775 = tpu.memref_slice %arg8[%dma_wait3A_773, %dma_wait3A_774] : memref<400x128xf32, #tpu.memory_space<vmem>> -> memref<128x128xf32, #tpu.memory_space<vmem>>
      %dma_wait3A_776 = arith.constant 128 : i32
      %dma_wait3A_777 = tpu.memref_slice %arg6[%dma_wait3A_776] : memref<400xi32, #tpu.memory_space<vmem>> -> memref<128xi32, #tpu.memory_space<vmem>>
      %dma_wait3A_778 = arith.constant 0 : i32
      %dma_wait3A_779 = arith.constant 0 : i32
      %dma_wait3A_780 = tpu.memref_slice %arg3[%dma_wait3A_778, %dma_wait3A_779] : memref<1000000x128xf32, #tpu.memory_space<hbm>> -> memref<1000000x128xf32, #tpu.memory_space<hbm>>
      tpu.wait_indirect_dma semaphore(%arg9 : memref<!tpu.dma_semaphore, #tpu.memory_space<semaphore_mem>>) src(%dma_wait3A_780 : memref<1000000x128xf32, #tpu.memory_space<hbm>>) dst(%dma_wait3A_775 : memref<128x128xf32, #tpu.memory_space<vmem>>)
      %dma_wait3A_781 = arith.constant 256 : i32
      %dma_wait3A_782 = arith.constant 0 : i32
      %dma_wait3A_783 = tpu.memref_slice %arg8[%dma_wait3A_781, %dma_wait3A_782] : memref<400x128xf32, #tpu.memory_space<vmem>> -> memref<128x128xf32, #tpu.memory_space<vmem>>
      %dma_wait3A_784 = arith.constant 256 : i32
      %dma_wait3A_785 = tpu.memref_slice %arg6[%dma_wait3A_784] : memref<400xi32, #tpu.memory_space<vmem>> -> memref<128xi32, #tpu.memory_space<vmem>>
      %dma_wait3A_786 = arith.constant 0 : i32
      %dma_wait3A_787 = arith.constant 0 : i32
      %dma_wait3A_788 = tpu.memref_slice %arg3[%dma_wait3A_786, %dma_wait3A_787] : memref<1000000x128xf32, #tpu.memory_space<hbm>> -> memref<1000000x128xf32, #tpu.memory_space<hbm>>
      tpu.wait_indirect_dma semaphore(%arg9 : memref<!tpu.dma_semaphore, #tpu.memory_space<semaphore_mem>>) src(%dma_wait3A_788 : memref<1000000x128xf32, #tpu.memory_space<hbm>>) dst(%dma_wait3A_783 : memref<128x128xf32, #tpu.memory_space<vmem>>)
      %dma_wait3A_789 = arith.constant 384 : i32
      %dma_wait3A_790 = arith.constant 0 : i32
      %dma_wait3A_791 = tpu.memref_slice %arg8[%dma_wait3A_789, %dma_wait3A_790] : memref<400x128xf32, #tpu.memory_space<vmem>> -> memref<16x128xf32, #tpu.memory_space<vmem>>
      %dma_wait3A_792 = arith.constant 384 : i32
      %dma_wait3A_793 = tpu.memref_slice %arg6[%dma_wait3A_792] : memref<400xi32, #tpu.memory_space<vmem>> -> memref<16xi32, #tpu.memory_space<vmem>>
      %dma_wait3A_794 = arith.constant 0 : i32
      %dma_wait3A_795 = arith.constant 0 : i32
      %dma_wait3A_796 = tpu.memref_slice %arg3[%dma_wait3A_794, %dma_wait3A_795] : memref<1000000x128xf32, #tpu.memory_space<hbm>> -> memref<1000000x128xf32, #tpu.memory_space<hbm>>
      tpu.wait_indirect_dma semaphore(%arg9 : memref<!tpu.dma_semaphore, #tpu.memory_space<semaphore_mem>>) src(%dma_wait3A_796 : memref<1000000x128xf32, #tpu.memory_space<hbm>>) dst(%dma_wait3A_791 : memref<16x128xf32, #tpu.memory_space<vmem>>)
      %mul3A_797 = arith.constant 2 : i32
      %mul3A_798 = arith.muli %add3A_690, %mul3A_797 : i32
      %add3A_799 = arith.addi %mul3A_4, %mul3A_798 : i32
      %add3A_800 = arith.constant 0 : i32
      %add3A_801 = arith.addi %add3A_799, %add3A_800 : i32
      %add3A_802 = arith.constant 1 : i32
      %add3A_803 = arith.addi %add3A_799, %add3A_802 : i32
      %dma_start3A_804 = arith.constant 0 : i32
      %dma_start3A_805 = arith.constant 0 : i32
      %dma_start3A_806 = tpu.memref_slice %arg8[%dma_start3A_804, %dma_start3A_805] : memref<400x128xf32, #tpu.memory_space<vmem>> -> memref<200x128xf32, #tpu.memory_space<vmem>>
      %dma_start3A_807 = arith.constant 0 : i32
      %dma_start3A_808 = arith.constant 0 : i32
      %dma_start3A_809 = tpu.memref_slice %arg4[%add3A_801, %dma_start3A_807, %dma_start3A_808] : memref<4096x200x128xf32, #tpu.memory_space<hbm>> -> memref<1x200x128xf32, #tpu.memory_space<hbm>>
      %dma_start3A_810 = tpu.memref_squeeze %dma_start3A_809 : memref<1x200x128xf32, #tpu.memory_space<hbm>> -> memref<200x128xf32, #tpu.memory_space<hbm>>
      %dma_start3A_811 = arith.constant 0 : i32
      %dma_start3A_812 = arith.constant 0 : i32
      %dma_start3A_813 = tpu.memref_slice %arg4[%add3A_801, %dma_start3A_811, %dma_start3A_812] : memref<4096x200x128xf32, #tpu.memory_space<hbm>> -> memref<1x200x128xf32, #tpu.memory_space<hbm>>
      %dma_start3A_814 = tpu.memref_squeeze %dma_start3A_813 : memref<1x200x128xf32, #tpu.memory_space<hbm>> -> memref<200x128xf32, #tpu.memory_space<hbm>>
      %dma_start3A_815 = arith.constant 0 : i32
      %dma_start3A_816 = arith.constant 0 : i32
      %dma_start3A_817 = tpu.memref_slice %arg8[%dma_start3A_815, %dma_start3A_816] : memref<400x128xf32, #tpu.memory_space<vmem>> -> memref<200x128xf32, #tpu.memory_space<vmem>>
      tpu.enqueue_dma source(%dma_start3A_817 : memref<200x128xf32, #tpu.memory_space<vmem>>) target(%dma_start3A_814 : memref<200x128xf32, #tpu.memory_space<hbm>>) target_semaphore(%arg11 : memref<!tpu.dma_semaphore, #tpu.memory_space<semaphore_mem>>)
      %dma_start3A_818 = arith.constant 200 : i32
      %dma_start3A_819 = arith.constant 0 : i32
      %dma_start3A_820 = tpu.memref_slice %arg8[%dma_start3A_818, %dma_start3A_819] : memref<400x128xf32, #tpu.memory_space<vmem>> -> memref<200x128xf32, #tpu.memory_space<vmem>>
      %dma_start3A_821 = arith.constant 0 : i32
      %dma_start3A_822 = arith.constant 0 : i32
      %dma_start3A_823 = tpu.memref_slice %arg4[%add3A_803, %dma_start3A_821, %dma_start3A_822] : memref<4096x200x128xf32, #tpu.memory_space<hbm>> -> memref<1x200x128xf32, #tpu.memory_space<hbm>>
      %dma_start3A_824 = tpu.memref_squeeze %dma_start3A_823 : memref<1x200x128xf32, #tpu.memory_space<hbm>> -> memref<200x128xf32, #tpu.memory_space<hbm>>
      %dma_start3A_825 = arith.constant 0 : i32
      %dma_start3A_826 = arith.constant 0 : i32
      %dma_start3A_827 = tpu.memref_slice %arg4[%add3A_803, %dma_start3A_825, %dma_start3A_826] : memref<4096x200x128xf32, #tpu.memory_space<hbm>> -> memref<1x200x128xf32, #tpu.memory_space<hbm>>
      %dma_start3A_828 = tpu.memref_squeeze %dma_start3A_827 : memref<1x200x128xf32, #tpu.memory_space<hbm>> -> memref<200x128xf32, #tpu.memory_space<hbm>>
      %dma_start3A_829 = arith.constant 200 : i32
      %dma_start3A_830 = arith.constant 0 : i32
      %dma_start3A_831 = tpu.memref_slice %arg8[%dma_start3A_829, %dma_start3A_830] : memref<400x128xf32, #tpu.memory_space<vmem>> -> memref<200x128xf32, #tpu.memory_space<vmem>>
      tpu.enqueue_dma source(%dma_start3A_831 : memref<200x128xf32, #tpu.memory_space<vmem>>) target(%dma_start3A_828 : memref<200x128xf32, #tpu.memory_space<hbm>>) target_semaphore(%arg11 : memref<!tpu.dma_semaphore, #tpu.memory_space<semaphore_mem>>)
    }
    %scan3A_209 = arith.constant 30 : i32
    %add3A_210 = arith.constant 120 : i32
    %add3A_211 = arith.addi %mul3A_4, %add3A_210 : i32
    %add3A_212 = arith.constant 0 : i32
    %add3A_213 = arith.addi %add3A_211, %add3A_212 : i32
    %add3A_214 = arith.constant 1 : i32
    %add3A_215 = arith.addi %add3A_211, %add3A_214 : i32
    %dma_wait3A_216 = arith.constant 0 : i32
    %dma_wait3A_217 = arith.constant 0 : i32
    %dma_wait3A_218 = tpu.memref_slice %arg7[%dma_wait3A_216, %dma_wait3A_217] : memref<400x128xf32, #tpu.memory_space<vmem>> -> memref<200x128xf32, #tpu.memory_space<vmem>>
    %dma_wait3A_219 = arith.constant 0 : i32
    %dma_wait3A_220 = arith.constant 0 : i32
    %dma_wait3A_221 = tpu.memref_slice %arg4[%add3A_213, %dma_wait3A_219, %dma_wait3A_220] : memref<4096x200x128xf32, #tpu.memory_space<hbm>> -> memref<1x200x128xf32, #tpu.memory_space<hbm>>
    %dma_wait3A_222 = tpu.memref_squeeze %dma_wait3A_221 : memref<1x200x128xf32, #tpu.memory_space<hbm>> -> memref<200x128xf32, #tpu.memory_space<hbm>>
    %dma_wait3A_223 = arith.constant 0 : i32
    %dma_wait3A_224 = arith.constant 0 : i32
    %dma_wait3A_225 = tpu.memref_slice %arg4[%add3A_213, %dma_wait3A_223, %dma_wait3A_224] : memref<4096x200x128xf32, #tpu.memory_space<hbm>> -> memref<1x200x128xf32, #tpu.memory_space<hbm>>
    %dma_wait3A_226 = tpu.memref_squeeze %dma_wait3A_225 : memref<1x200x128xf32, #tpu.memory_space<hbm>> -> memref<200x128xf32, #tpu.memory_space<hbm>>
    %dma_wait3A_227 = arith.constant 0 : i32
    %dma_wait3A_228 = arith.constant 0 : i32
    %dma_wait3A_229 = tpu.memref_slice %arg7[%dma_wait3A_227, %dma_wait3A_228] : memref<400x128xf32, #tpu.memory_space<vmem>> -> memref<200x128xf32, #tpu.memory_space<vmem>>
    tpu.wait_dma2 semaphore(%arg10 : memref<!tpu.dma_semaphore, #tpu.memory_space<semaphore_mem>>) src(%dma_wait3A_229 : memref<200x128xf32, #tpu.memory_space<vmem>>) dst(%dma_wait3A_226 : memref<200x128xf32, #tpu.memory_space<hbm>>)
    %dma_wait3A_230 = arith.constant 200 : i32
    %dma_wait3A_231 = arith.constant 0 : i32
    %dma_wait3A_232 = tpu.memref_slice %arg7[%dma_wait3A_230, %dma_wait3A_231] : memref<400x128xf32, #tpu.memory_space<vmem>> -> memref<200x128xf32, #tpu.memory_space<vmem>>
    %dma_wait3A_233 = arith.constant 0 : i32
    %dma_wait3A_234 = arith.constant 0 : i32
    %dma_wait3A_235 = tpu.memref_slice %arg4[%add3A_215, %dma_wait3A_233, %dma_wait3A_234] : memref<4096x200x128xf32, #tpu.memory_space<hbm>> -> memref<1x200x128xf32, #tpu.memory_space<hbm>>
    %dma_wait3A_236 = tpu.memref_squeeze %dma_wait3A_235 : memref<1x200x128xf32, #tpu.memory_space<hbm>> -> memref<200x128xf32, #tpu.memory_space<hbm>>
    %dma_wait3A_237 = arith.constant 0 : i32
    %dma_wait3A_238 = arith.constant 0 : i32
    %dma_wait3A_239 = tpu.memref_slice %arg4[%add3A_215, %dma_wait3A_237, %dma_wait3A_238] : memref<4096x200x128xf32, #tpu.memory_space<hbm>> -> memref<1x200x128xf32, #tpu.memory_space<hbm>>
    %dma_wait3A_240 = tpu.memref_squeeze %dma_wait3A_239 : memref<1x200x128xf32, #tpu.memory_space<hbm>> -> memref<200x128xf32, #tpu.memory_space<hbm>>
    %dma_wait3A_241 = arith.constant 200 : i32
    %dma_wait3A_242 = arith.constant 0 : i32
    %dma_wait3A_243 = tpu.memref_slice %arg7[%dma_wait3A_241, %dma_wait3A_242] : memref<400x128xf32, #tpu.memory_space<vmem>> -> memref<200x128xf32, #tpu.memory_space<vmem>>
    tpu.wait_dma2 semaphore(%arg10 : memref<!tpu.dma_semaphore, #tpu.memory_space<semaphore_mem>>) src(%dma_wait3A_243 : memref<200x128xf32, #tpu.memory_space<vmem>>) dst(%dma_wait3A_240 : memref<200x128xf32, #tpu.memory_space<hbm>>)
    %dma_start3A_244 = arith.constant 0 : i32
    %dma_start3A_245 = arith.constant 0 : i32
    %dma_start3A_246 = tpu.memref_slice %arg7[%dma_start3A_244, %dma_start3A_245] : memref<400x128xf32, #tpu.memory_space<vmem>> -> memref<128x128xf32, #tpu.memory_space<vmem>>
    %dma_start3A_247 = arith.constant 0 : i32
    %dma_start3A_248 = tpu.memref_slice %arg5[%dma_start3A_247] : memref<400xi32, #tpu.memory_space<vmem>> -> memref<128xi32, #tpu.memory_space<vmem>>
    %dma_start3A_249 = arith.constant 0 : i32
    %dma_start3A_250 = arith.constant 0 : i32
    %dma_start3A_251 = tpu.memref_slice %arg3[%dma_start3A_249, %dma_start3A_250] : memref<1000000x128xf32, #tpu.memory_space<hbm>> -> memref<1000000x128xf32, #tpu.memory_space<hbm>>
    tpu.enqueue_indirect_dma source(%dma_start3A_251 : memref<1000000x128xf32, #tpu.memory_space<hbm>>) target(%dma_start3A_246 : memref<128x128xf32, #tpu.memory_space<vmem>>) offsets(%dma_start3A_248 : memref<128xi32, #tpu.memory_space<vmem>>) semaphore(%arg9 : memref<!tpu.dma_semaphore, #tpu.memory_space<semaphore_mem>>)
    %dma_start3A_252 = arith.constant 128 : i32
    %dma_start3A_253 = arith.constant 0 : i32
    %dma_start3A_254 = tpu.memref_slice %arg7[%dma_start3A_252, %dma_start3A_253] : memref<400x128xf32, #tpu.memory_space<vmem>> -> memref<128x128xf32, #tpu.memory_space<vmem>>
    %dma_start3A_255 = arith.constant 128 : i32
    %dma_start3A_256 = tpu.memref_slice %arg5[%dma_start3A_255] : memref<400xi32, #tpu.memory_space<vmem>> -> memref<128xi32, #tpu.memory_space<vmem>>
    %dma_start3A_257 = arith.constant 0 : i32
    %dma_start3A_258 = arith.constant 0 : i32
    %dma_start3A_259 = tpu.memref_slice %arg3[%dma_start3A_257, %dma_start3A_258] : memref<1000000x128xf32, #tpu.memory_space<hbm>> -> memref<1000000x128xf32, #tpu.memory_space<hbm>>
    tpu.enqueue_indirect_dma source(%dma_start3A_259 : memref<1000000x128xf32, #tpu.memory_space<hbm>>) target(%dma_start3A_254 : memref<128x128xf32, #tpu.memory_space<vmem>>) offsets(%dma_start3A_256 : memref<128xi32, #tpu.memory_space<vmem>>) semaphore(%arg9 : memref<!tpu.dma_semaphore, #tpu.memory_space<semaphore_mem>>)
    %dma_start3A_260 = arith.constant 256 : i32
    %dma_start3A_261 = arith.constant 0 : i32
    %dma_start3A_262 = tpu.memref_slice %arg7[%dma_start3A_260, %dma_start3A_261] : memref<400x128xf32, #tpu.memory_space<vmem>> -> memref<128x128xf32, #tpu.memory_space<vmem>>
    %dma_start3A_263 = arith.constant 256 : i32
    %dma_start3A_264 = tpu.memref_slice %arg5[%dma_start3A_263] : memref<400xi32, #tpu.memory_space<vmem>> -> memref<128xi32, #tpu.memory_space<vmem>>
    %dma_start3A_265 = arith.constant 0 : i32
    %dma_start3A_266 = arith.constant 0 : i32
    %dma_start3A_267 = tpu.memref_slice %arg3[%dma_start3A_265, %dma_start3A_266] : memref<1000000x128xf32, #tpu.memory_space<hbm>> -> memref<1000000x128xf32, #tpu.memory_space<hbm>>
    tpu.enqueue_indirect_dma source(%dma_start3A_267 : memref<1000000x128xf32, #tpu.memory_space<hbm>>) target(%dma_start3A_262 : memref<128x128xf32, #tpu.memory_space<vmem>>) offsets(%dma_start3A_264 : memref<128xi32, #tpu.memory_space<vmem>>) semaphore(%arg9 : memref<!tpu.dma_semaphore, #tpu.memory_space<semaphore_mem>>)
    %dma_start3A_268 = arith.constant 384 : i32
    %dma_start3A_269 = arith.constant 0 : i32
    %dma_start3A_270 = tpu.memref_slice %arg7[%dma_start3A_268, %dma_start3A_269] : memref<400x128xf32, #tpu.memory_space<vmem>> -> memref<16x128xf32, #tpu.memory_space<vmem>>
    %dma_start3A_271 = arith.constant 384 : i32
    %dma_start3A_272 = tpu.memref_slice %arg5[%dma_start3A_271] : memref<400xi32, #tpu.memory_space<vmem>> -> memref<16xi32, #tpu.memory_space<vmem>>
    %dma_start3A_273 = arith.constant 0 : i32
    %dma_start3A_274 = arith.constant 0 : i32
    %dma_start3A_275 = tpu.memref_slice %arg3[%dma_start3A_273, %dma_start3A_274] : memref<1000000x128xf32, #tpu.memory_space<hbm>> -> memref<1000000x128xf32, #tpu.memory_space<hbm>>
    tpu.enqueue_indirect_dma source(%dma_start3A_275 : memref<1000000x128xf32, #tpu.memory_space<hbm>>) target(%dma_start3A_270 : memref<16x128xf32, #tpu.memory_space<vmem>>) offsets(%dma_start3A_272 : memref<16xi32, #tpu.memory_space<vmem>>) semaphore(%arg9 : memref<!tpu.dma_semaphore, #tpu.memory_space<semaphore_mem>>)
    %add3A_276 = arith.constant 25200 : i32
    %add3A_277 = arith.addi %mul3A_2, %add3A_276 : i32
    "tpu.region"() ({
      %run_scoped3A = tpu.sem_alloc : memref<!tpu.dma_semaphore, #tpu.memory_space<semaphore_mem>>
      %dma_start3A_544 = tpu.memref_slice %arg2[%add3A_277] : memref<819200xi32, #tpu.memory_space<hbm>> -> memref<400xi32, #tpu.memory_space<hbm>>
      %dma_start3A_545 = tpu.memref_slice %arg2[%add3A_277] : memref<819200xi32, #tpu.memory_space<hbm>> -> memref<400xi32, #tpu.memory_space<hbm>>
      tpu.enqueue_dma source(%dma_start3A_545 : memref<400xi32, #tpu.memory_space<hbm>>) target(%arg6 : memref<400xi32, #tpu.memory_space<vmem>>) target_semaphore(%run_scoped3A : memref<!tpu.dma_semaphore, #tpu.memory_space<semaphore_mem>>)
      %dma_wait3A_546 = tpu.memref_slice %arg2[%add3A_277] : memref<819200xi32, #tpu.memory_space<hbm>> -> memref<400xi32, #tpu.memory_space<hbm>>
      %dma_wait3A_547 = tpu.memref_slice %arg2[%add3A_277] : memref<819200xi32, #tpu.memory_space<hbm>> -> memref<400xi32, #tpu.memory_space<hbm>>
      tpu.wait_dma2 semaphore(%run_scoped3A : memref<!tpu.dma_semaphore, #tpu.memory_space<semaphore_mem>>) src(%dma_wait3A_547 : memref<400xi32, #tpu.memory_space<hbm>>) dst(%arg6 : memref<400xi32, #tpu.memory_space<vmem>>)
      tpu.yield
    }) : () -> ()
    %dma_wait3A_278 = arith.constant 0 : i32
    %dma_wait3A_279 = arith.constant 0 : i32
    %dma_wait3A_280 = tpu.memref_slice %arg7[%dma_wait3A_278, %dma_wait3A_279] : memref<400x128xf32, #tpu.memory_space<vmem>> -> memref<128x128xf32, #tpu.memory_space<vmem>>
    %dma_wait3A_281 = arith.constant 0 : i32
    %dma_wait3A_282 = tpu.memref_slice %arg5[%dma_wait3A_281] : memref<400xi32, #tpu.memory_space<vmem>> -> memref<128xi32, #tpu.memory_space<vmem>>
    %dma_wait3A_283 = arith.constant 0 : i32
    %dma_wait3A_284 = arith.constant 0 : i32
    %dma_wait3A_285 = tpu.memref_slice %arg3[%dma_wait3A_283, %dma_wait3A_284] : memref<1000000x128xf32, #tpu.memory_space<hbm>> -> memref<1000000x128xf32, #tpu.memory_space<hbm>>
    tpu.wait_indirect_dma semaphore(%arg9 : memref<!tpu.dma_semaphore, #tpu.memory_space<semaphore_mem>>) src(%dma_wait3A_285 : memref<1000000x128xf32, #tpu.memory_space<hbm>>) dst(%dma_wait3A_280 : memref<128x128xf32, #tpu.memory_space<vmem>>)
    %dma_wait3A_286 = arith.constant 128 : i32
    %dma_wait3A_287 = arith.constant 0 : i32
    %dma_wait3A_288 = tpu.memref_slice %arg7[%dma_wait3A_286, %dma_wait3A_287] : memref<400x128xf32, #tpu.memory_space<vmem>> -> memref<128x128xf32, #tpu.memory_space<vmem>>
    %dma_wait3A_289 = arith.constant 128 : i32
    %dma_wait3A_290 = tpu.memref_slice %arg5[%dma_wait3A_289] : memref<400xi32, #tpu.memory_space<vmem>> -> memref<128xi32, #tpu.memory_space<vmem>>
    %dma_wait3A_291 = arith.constant 0 : i32
    %dma_wait3A_292 = arith.constant 0 : i32
    %dma_wait3A_293 = tpu.memref_slice %arg3[%dma_wait3A_291, %dma_wait3A_292] : memref<1000000x128xf32, #tpu.memory_space<hbm>> -> memref<1000000x128xf32, #tpu.memory_space<hbm>>
    tpu.wait_indirect_dma semaphore(%arg9 : memref<!tpu.dma_semaphore, #tpu.memory_space<semaphore_mem>>) src(%dma_wait3A_293 : memref<1000000x128xf32, #tpu.memory_space<hbm>>) dst(%dma_wait3A_288 : memref<128x128xf32, #tpu.memory_space<vmem>>)
    %dma_wait3A_294 = arith.constant 256 : i32
    %dma_wait3A_295 = arith.constant 0 : i32
    %dma_wait3A_296 = tpu.memref_slice %arg7[%dma_wait3A_294, %dma_wait3A_295] : memref<400x128xf32, #tpu.memory_space<vmem>> -> memref<128x128xf32, #tpu.memory_space<vmem>>
    %dma_wait3A_297 = arith.constant 256 : i32
    %dma_wait3A_298 = tpu.memref_slice %arg5[%dma_wait3A_297] : memref<400xi32, #tpu.memory_space<vmem>> -> memref<128xi32, #tpu.memory_space<vmem>>
    %dma_wait3A_299 = arith.constant 0 : i32
    %dma_wait3A_300 = arith.constant 0 : i32
    %dma_wait3A_301 = tpu.memref_slice %arg3[%dma_wait3A_299, %dma_wait3A_300] : memref<1000000x128xf32, #tpu.memory_space<hbm>> -> memref<1000000x128xf32, #tpu.memory_space<hbm>>
    tpu.wait_indirect_dma semaphore(%arg9 : memref<!tpu.dma_semaphore, #tpu.memory_space<semaphore_mem>>) src(%dma_wait3A_301 : memref<1000000x128xf32, #tpu.memory_space<hbm>>) dst(%dma_wait3A_296 : memref<128x128xf32, #tpu.memory_space<vmem>>)
    %dma_wait3A_302 = arith.constant 384 : i32
    %dma_wait3A_303 = arith.constant 0 : i32
    %dma_wait3A_304 = tpu.memref_slice %arg7[%dma_wait3A_302, %dma_wait3A_303] : memref<400x128xf32, #tpu.memory_space<vmem>> -> memref<16x128xf32, #tpu.memory_space<vmem>>
    %dma_wait3A_305 = arith.constant 384 : i32
    %dma_wait3A_306 = tpu.memref_slice %arg5[%dma_wait3A_305] : memref<400xi32, #tpu.memory_space<vmem>> -> memref<16xi32, #tpu.memory_space<vmem>>
    %dma_wait3A_307 = arith.constant 0 : i32
    %dma_wait3A_308 = arith.constant 0 : i32
    %dma_wait3A_309 = tpu.memref_slice %arg3[%dma_wait3A_307, %dma_wait3A_308] : memref<1000000x128xf32, #tpu.memory_space<hbm>> -> memref<1000000x128xf32, #tpu.memory_space<hbm>>
    tpu.wait_indirect_dma semaphore(%arg9 : memref<!tpu.dma_semaphore, #tpu.memory_space<semaphore_mem>>) src(%dma_wait3A_309 : memref<1000000x128xf32, #tpu.memory_space<hbm>>) dst(%dma_wait3A_304 : memref<16x128xf32, #tpu.memory_space<vmem>>)
    %add3A_310 = arith.constant 124 : i32
    %add3A_311 = arith.addi %mul3A_4, %add3A_310 : i32
    %add3A_312 = arith.constant 0 : i32
    %add3A_313 = arith.addi %add3A_311, %add3A_312 : i32
    %add3A_314 = arith.constant 1 : i32
    %add3A_315 = arith.addi %add3A_311, %add3A_314 : i32
    %dma_start3A_316 = arith.constant 0 : i32
    %dma_start3A_317 = arith.constant 0 : i32
    %dma_start3A_318 = tpu.memref_slice %arg7[%dma_start3A_316, %dma_start3A_317] : memref<400x128xf32, #tpu.memory_space<vmem>> -> memref<200x128xf32, #tpu.memory_space<vmem>>
    %dma_start3A_319 = arith.constant 0 : i32
    %dma_start3A_320 = arith.constant 0 : i32
    %dma_start3A_321 = tpu.memref_slice %arg4[%add3A_313, %dma_start3A_319, %dma_start3A_320] : memref<4096x200x128xf32, #tpu.memory_space<hbm>> -> memref<1x200x128xf32, #tpu.memory_space<hbm>>
    %dma_start3A_322 = tpu.memref_squeeze %dma_start3A_321 : memref<1x200x128xf32, #tpu.memory_space<hbm>> -> memref<200x128xf32, #tpu.memory_space<hbm>>
    %dma_start3A_323 = arith.constant 0 : i32
    %dma_start3A_324 = arith.constant 0 : i32
    %dma_start3A_325 = tpu.memref_slice %arg4[%add3A_313, %dma_start3A_323, %dma_start3A_324] : memref<4096x200x128xf32, #tpu.memory_space<hbm>> -> memref<1x200x128xf32, #tpu.memory_space<hbm>>
    %dma_start3A_326 = tpu.memref_squeeze %dma_start3A_325 : memref<1x200x128xf32, #tpu.memory_space<hbm>> -> memref<200x128xf32, #tpu.memory_space<hbm>>
    %dma_start3A_327 = arith.constant 0 : i32
    %dma_start3A_328 = arith.constant 0 : i32
    %dma_start3A_329 = tpu.memref_slice %arg7[%dma_start3A_327, %dma_start3A_328] : memref<400x128xf32, #tpu.memory_space<vmem>> -> memref<200x128xf32, #tpu.memory_space<vmem>>
    tpu.enqueue_dma source(%dma_start3A_329 : memref<200x128xf32, #tpu.memory_space<vmem>>) target(%dma_start3A_326 : memref<200x128xf32, #tpu.memory_space<hbm>>) target_semaphore(%arg10 : memref<!tpu.dma_semaphore, #tpu.memory_space<semaphore_mem>>)
    %dma_start3A_330 = arith.constant 200 : i32
    %dma_start3A_331 = arith.constant 0 : i32
    %dma_start3A_332 = tpu.memref_slice %arg7[%dma_start3A_330, %dma_start3A_331] : memref<400x128xf32, #tpu.memory_space<vmem>> -> memref<200x128xf32, #tpu.memory_space<vmem>>
    %dma_start3A_333 = arith.constant 0 : i32
    %dma_start3A_334 = arith.constant 0 : i32
    %dma_start3A_335 = tpu.memref_slice %arg4[%add3A_315, %dma_start3A_333, %dma_start3A_334] : memref<4096x200x128xf32, #tpu.memory_space<hbm>> -> memref<1x200x128xf32, #tpu.memory_space<hbm>>
    %dma_start3A_336 = tpu.memref_squeeze %dma_start3A_335 : memref<1x200x128xf32, #tpu.memory_space<hbm>> -> memref<200x128xf32, #tpu.memory_space<hbm>>
    %dma_start3A_337 = arith.constant 0 : i32
    %dma_start3A_338 = arith.constant 0 : i32
    %dma_start3A_339 = tpu.memref_slice %arg4[%add3A_315, %dma_start3A_337, %dma_start3A_338] : memref<4096x200x128xf32, #tpu.memory_space<hbm>> -> memref<1x200x128xf32, #tpu.memory_space<hbm>>
    %dma_start3A_340 = tpu.memref_squeeze %dma_start3A_339 : memref<1x200x128xf32, #tpu.memory_space<hbm>> -> memref<200x128xf32, #tpu.memory_space<hbm>>
    %dma_start3A_341 = arith.constant 200 : i32
    %dma_start3A_342 = arith.constant 0 : i32
    %dma_start3A_343 = tpu.memref_slice %arg7[%dma_start3A_341, %dma_start3A_342] : memref<400x128xf32, #tpu.memory_space<vmem>> -> memref<200x128xf32, #tpu.memory_space<vmem>>
    tpu.enqueue_dma source(%dma_start3A_343 : memref<200x128xf32, #tpu.memory_space<vmem>>) target(%dma_start3A_340 : memref<200x128xf32, #tpu.memory_space<hbm>>) target_semaphore(%arg10 : memref<!tpu.dma_semaphore, #tpu.memory_space<semaphore_mem>>)
    %add3A_344 = arith.constant 122 : i32
    %add3A_345 = arith.addi %mul3A_4, %add3A_344 : i32
    %add3A_346 = arith.constant 0 : i32
    %add3A_347 = arith.addi %add3A_345, %add3A_346 : i32
    %add3A_348 = arith.constant 1 : i32
    %add3A_349 = arith.addi %add3A_345, %add3A_348 : i32
    %dma_wait3A_350 = arith.constant 0 : i32
    %dma_wait3A_351 = arith.constant 0 : i32
    %dma_wait3A_352 = tpu.memref_slice %arg8[%dma_wait3A_350, %dma_wait3A_351] : memref<400x128xf32, #tpu.memory_space<vmem>> -> memref<200x128xf32, #tpu.memory_space<vmem>>
    %dma_wait3A_353 = arith.constant 0 : i32
    %dma_wait3A_354 = arith.constant 0 : i32
    %dma_wait3A_355 = tpu.memref_slice %arg4[%add3A_347, %dma_wait3A_353, %dma_wait3A_354] : memref<4096x200x128xf32, #tpu.memory_space<hbm>> -> memref<1x200x128xf32, #tpu.memory_space<hbm>>
    %dma_wait3A_356 = tpu.memref_squeeze %dma_wait3A_355 : memref<1x200x128xf32, #tpu.memory_space<hbm>> -> memref<200x128xf32, #tpu.memory_space<hbm>>
    %dma_wait3A_357 = arith.constant 0 : i32
    %dma_wait3A_358 = arith.constant 0 : i32
    %dma_wait3A_359 = tpu.memref_slice %arg4[%add3A_347, %dma_wait3A_357, %dma_wait3A_358] : memref<4096x200x128xf32, #tpu.memory_space<hbm>> -> memref<1x200x128xf32, #tpu.memory_space<hbm>>
    %dma_wait3A_360 = tpu.memref_squeeze %dma_wait3A_359 : memref<1x200x128xf32, #tpu.memory_space<hbm>> -> memref<200x128xf32, #tpu.memory_space<hbm>>
    %dma_wait3A_361 = arith.constant 0 : i32
    %dma_wait3A_362 = arith.constant 0 : i32
    %dma_wait3A_363 = tpu.memref_slice %arg8[%dma_wait3A_361, %dma_wait3A_362] : memref<400x128xf32, #tpu.memory_space<vmem>> -> memref<200x128xf32, #tpu.memory_space<vmem>>
    tpu.wait_dma2 semaphore(%arg11 : memref<!tpu.dma_semaphore, #tpu.memory_space<semaphore_mem>>) src(%dma_wait3A_363 : memref<200x128xf32, #tpu.memory_space<vmem>>) dst(%dma_wait3A_360 : memref<200x128xf32, #tpu.memory_space<hbm>>)
    %dma_wait3A_364 = arith.constant 200 : i32
    %dma_wait3A_365 = arith.constant 0 : i32
    %dma_wait3A_366 = tpu.memref_slice %arg8[%dma_wait3A_364, %dma_wait3A_365] : memref<400x128xf32, #tpu.memory_space<vmem>> -> memref<200x128xf32, #tpu.memory_space<vmem>>
    %dma_wait3A_367 = arith.constant 0 : i32
    %dma_wait3A_368 = arith.constant 0 : i32
    %dma_wait3A_369 = tpu.memref_slice %arg4[%add3A_349, %dma_wait3A_367, %dma_wait3A_368] : memref<4096x200x128xf32, #tpu.memory_space<hbm>> -> memref<1x200x128xf32, #tpu.memory_space<hbm>>
    %dma_wait3A_370 = tpu.memref_squeeze %dma_wait3A_369 : memref<1x200x128xf32, #tpu.memory_space<hbm>> -> memref<200x128xf32, #tpu.memory_space<hbm>>
    %dma_wait3A_371 = arith.constant 0 : i32
    %dma_wait3A_372 = arith.constant 0 : i32
    %dma_wait3A_373 = tpu.memref_slice %arg4[%add3A_349, %dma_wait3A_371, %dma_wait3A_372] : memref<4096x200x128xf32, #tpu.memory_space<hbm>> -> memref<1x200x128xf32, #tpu.memory_space<hbm>>
    %dma_wait3A_374 = tpu.memref_squeeze %dma_wait3A_373 : memref<1x200x128xf32, #tpu.memory_space<hbm>> -> memref<200x128xf32, #tpu.memory_space<hbm>>
    %dma_wait3A_375 = arith.constant 200 : i32
    %dma_wait3A_376 = arith.constant 0 : i32
    %dma_wait3A_377 = tpu.memref_slice %arg8[%dma_wait3A_375, %dma_wait3A_376] : memref<400x128xf32, #tpu.memory_space<vmem>> -> memref<200x128xf32, #tpu.memory_space<vmem>>
    tpu.wait_dma2 semaphore(%arg11 : memref<!tpu.dma_semaphore, #tpu.memory_space<semaphore_mem>>) src(%dma_wait3A_377 : memref<200x128xf32, #tpu.memory_space<vmem>>) dst(%dma_wait3A_374 : memref<200x128xf32, #tpu.memory_space<hbm>>)
    %dma_start3A_378 = arith.constant 0 : i32
    %dma_start3A_379 = arith.constant 0 : i32
    %dma_start3A_380 = tpu.memref_slice %arg8[%dma_start3A_378, %dma_start3A_379] : memref<400x128xf32, #tpu.memory_space<vmem>> -> memref<128x128xf32, #tpu.memory_space<vmem>>
    %dma_start3A_381 = arith.constant 0 : i32
    %dma_start3A_382 = tpu.memref_slice %arg6[%dma_start3A_381] : memref<400xi32, #tpu.memory_space<vmem>> -> memref<128xi32, #tpu.memory_space<vmem>>
    %dma_start3A_383 = arith.constant 0 : i32
    %dma_start3A_384 = arith.constant 0 : i32
    %dma_start3A_385 = tpu.memref_slice %arg3[%dma_start3A_383, %dma_start3A_384] : memref<1000000x128xf32, #tpu.memory_space<hbm>> -> memref<1000000x128xf32, #tpu.memory_space<hbm>>
    tpu.enqueue_indirect_dma source(%dma_start3A_385 : memref<1000000x128xf32, #tpu.memory_space<hbm>>) target(%dma_start3A_380 : memref<128x128xf32, #tpu.memory_space<vmem>>) offsets(%dma_start3A_382 : memref<128xi32, #tpu.memory_space<vmem>>) semaphore(%arg9 : memref<!tpu.dma_semaphore, #tpu.memory_space<semaphore_mem>>)
    %dma_start3A_386 = arith.constant 128 : i32
    %dma_start3A_387 = arith.constant 0 : i32
    %dma_start3A_388 = tpu.memref_slice %arg8[%dma_start3A_386, %dma_start3A_387] : memref<400x128xf32, #tpu.memory_space<vmem>> -> memref<128x128xf32, #tpu.memory_space<vmem>>
    %dma_start3A_389 = arith.constant 128 : i32
    %dma_start3A_390 = tpu.memref_slice %arg6[%dma_start3A_389] : memref<400xi32, #tpu.memory_space<vmem>> -> memref<128xi32, #tpu.memory_space<vmem>>
    %dma_start3A_391 = arith.constant 0 : i32
    %dma_start3A_392 = arith.constant 0 : i32
    %dma_start3A_393 = tpu.memref_slice %arg3[%dma_start3A_391, %dma_start3A_392] : memref<1000000x128xf32, #tpu.memory_space<hbm>> -> memref<1000000x128xf32, #tpu.memory_space<hbm>>
    tpu.enqueue_indirect_dma source(%dma_start3A_393 : memref<1000000x128xf32, #tpu.memory_space<hbm>>) target(%dma_start3A_388 : memref<128x128xf32, #tpu.memory_space<vmem>>) offsets(%dma_start3A_390 : memref<128xi32, #tpu.memory_space<vmem>>) semaphore(%arg9 : memref<!tpu.dma_semaphore, #tpu.memory_space<semaphore_mem>>)
    %dma_start3A_394 = arith.constant 256 : i32
    %dma_start3A_395 = arith.constant 0 : i32
    %dma_start3A_396 = tpu.memref_slice %arg8[%dma_start3A_394, %dma_start3A_395] : memref<400x128xf32, #tpu.memory_space<vmem>> -> memref<128x128xf32, #tpu.memory_space<vmem>>
    %dma_start3A_397 = arith.constant 256 : i32
    %dma_start3A_398 = tpu.memref_slice %arg6[%dma_start3A_397] : memref<400xi32, #tpu.memory_space<vmem>> -> memref<128xi32, #tpu.memory_space<vmem>>
    %dma_start3A_399 = arith.constant 0 : i32
    %dma_start3A_400 = arith.constant 0 : i32
    %dma_start3A_401 = tpu.memref_slice %arg3[%dma_start3A_399, %dma_start3A_400] : memref<1000000x128xf32, #tpu.memory_space<hbm>> -> memref<1000000x128xf32, #tpu.memory_space<hbm>>
    tpu.enqueue_indirect_dma source(%dma_start3A_401 : memref<1000000x128xf32, #tpu.memory_space<hbm>>) target(%dma_start3A_396 : memref<128x128xf32, #tpu.memory_space<vmem>>) offsets(%dma_start3A_398 : memref<128xi32, #tpu.memory_space<vmem>>) semaphore(%arg9 : memref<!tpu.dma_semaphore, #tpu.memory_space<semaphore_mem>>)
    %dma_start3A_402 = arith.constant 384 : i32
    %dma_start3A_403 = arith.constant 0 : i32
    %dma_start3A_404 = tpu.memref_slice %arg8[%dma_start3A_402, %dma_start3A_403] : memref<400x128xf32, #tpu.memory_space<vmem>> -> memref<16x128xf32, #tpu.memory_space<vmem>>
    %dma_start3A_405 = arith.constant 384 : i32
    %dma_start3A_406 = tpu.memref_slice %arg6[%dma_start3A_405] : memref<400xi32, #tpu.memory_space<vmem>> -> memref<16xi32, #tpu.memory_space<vmem>>
    %dma_start3A_407 = arith.constant 0 : i32
    %dma_start3A_408 = arith.constant 0 : i32
    %dma_start3A_409 = tpu.memref_slice %arg3[%dma_start3A_407, %dma_start3A_408] : memref<1000000x128xf32, #tpu.memory_space<hbm>> -> memref<1000000x128xf32, #tpu.memory_space<hbm>>
    tpu.enqueue_indirect_dma source(%dma_start3A_409 : memref<1000000x128xf32, #tpu.memory_space<hbm>>) target(%dma_start3A_404 : memref<16x128xf32, #tpu.memory_space<vmem>>) offsets(%dma_start3A_406 : memref<16xi32, #tpu.memory_space<vmem>>) semaphore(%arg9 : memref<!tpu.dma_semaphore, #tpu.memory_space<semaphore_mem>>)
    %dma_wait3A_410 = arith.constant 0 : i32
    %dma_wait3A_411 = arith.constant 0 : i32
    %dma_wait3A_412 = tpu.memref_slice %arg8[%dma_wait3A_410, %dma_wait3A_411] : memref<400x128xf32, #tpu.memory_space<vmem>> -> memref<128x128xf32, #tpu.memory_space<vmem>>
    %dma_wait3A_413 = arith.constant 0 : i32
    %dma_wait3A_414 = tpu.memref_slice %arg6[%dma_wait3A_413] : memref<400xi32, #tpu.memory_space<vmem>> -> memref<128xi32, #tpu.memory_space<vmem>>
    %dma_wait3A_415 = arith.constant 0 : i32
    %dma_wait3A_416 = arith.constant 0 : i32
    %dma_wait3A_417 = tpu.memref_slice %arg3[%dma_wait3A_415, %dma_wait3A_416] : memref<1000000x128xf32, #tpu.memory_space<hbm>> -> memref<1000000x128xf32, #tpu.memory_space<hbm>>
    tpu.wait_indirect_dma semaphore(%arg9 : memref<!tpu.dma_semaphore, #tpu.memory_space<semaphore_mem>>) src(%dma_wait3A_417 : memref<1000000x128xf32, #tpu.memory_space<hbm>>) dst(%dma_wait3A_412 : memref<128x128xf32, #tpu.memory_space<vmem>>)
    %dma_wait3A_418 = arith.constant 128 : i32
    %dma_wait3A_419 = arith.constant 0 : i32
    %dma_wait3A_420 = tpu.memref_slice %arg8[%dma_wait3A_418, %dma_wait3A_419] : memref<400x128xf32, #tpu.memory_space<vmem>> -> memref<128x128xf32, #tpu.memory_space<vmem>>
    %dma_wait3A_421 = arith.constant 128 : i32
    %dma_wait3A_422 = tpu.memref_slice %arg6[%dma_wait3A_421] : memref<400xi32, #tpu.memory_space<vmem>> -> memref<128xi32, #tpu.memory_space<vmem>>
    %dma_wait3A_423 = arith.constant 0 : i32
    %dma_wait3A_424 = arith.constant 0 : i32
    %dma_wait3A_425 = tpu.memref_slice %arg3[%dma_wait3A_423, %dma_wait3A_424] : memref<1000000x128xf32, #tpu.memory_space<hbm>> -> memref<1000000x128xf32, #tpu.memory_space<hbm>>
    tpu.wait_indirect_dma semaphore(%arg9 : memref<!tpu.dma_semaphore, #tpu.memory_space<semaphore_mem>>) src(%dma_wait3A_425 : memref<1000000x128xf32, #tpu.memory_space<hbm>>) dst(%dma_wait3A_420 : memref<128x128xf32, #tpu.memory_space<vmem>>)
    %dma_wait3A_426 = arith.constant 256 : i32
    %dma_wait3A_427 = arith.constant 0 : i32
    %dma_wait3A_428 = tpu.memref_slice %arg8[%dma_wait3A_426, %dma_wait3A_427] : memref<400x128xf32, #tpu.memory_space<vmem>> -> memref<128x128xf32, #tpu.memory_space<vmem>>
    %dma_wait3A_429 = arith.constant 256 : i32
    %dma_wait3A_430 = tpu.memref_slice %arg6[%dma_wait3A_429] : memref<400xi32, #tpu.memory_space<vmem>> -> memref<128xi32, #tpu.memory_space<vmem>>
    %dma_wait3A_431 = arith.constant 0 : i32
    %dma_wait3A_432 = arith.constant 0 : i32
    %dma_wait3A_433 = tpu.memref_slice %arg3[%dma_wait3A_431, %dma_wait3A_432] : memref<1000000x128xf32, #tpu.memory_space<hbm>> -> memref<1000000x128xf32, #tpu.memory_space<hbm>>
    tpu.wait_indirect_dma semaphore(%arg9 : memref<!tpu.dma_semaphore, #tpu.memory_space<semaphore_mem>>) src(%dma_wait3A_433 : memref<1000000x128xf32, #tpu.memory_space<hbm>>) dst(%dma_wait3A_428 : memref<128x128xf32, #tpu.memory_space<vmem>>)
    %dma_wait3A_434 = arith.constant 384 : i32
    %dma_wait3A_435 = arith.constant 0 : i32
    %dma_wait3A_436 = tpu.memref_slice %arg8[%dma_wait3A_434, %dma_wait3A_435] : memref<400x128xf32, #tpu.memory_space<vmem>> -> memref<16x128xf32, #tpu.memory_space<vmem>>
    %dma_wait3A_437 = arith.constant 384 : i32
    %dma_wait3A_438 = tpu.memref_slice %arg6[%dma_wait3A_437] : memref<400xi32, #tpu.memory_space<vmem>> -> memref<16xi32, #tpu.memory_space<vmem>>
    %dma_wait3A_439 = arith.constant 0 : i32
    %dma_wait3A_440 = arith.constant 0 : i32
    %dma_wait3A_441 = tpu.memref_slice %arg3[%dma_wait3A_439, %dma_wait3A_440] : memref<1000000x128xf32, #tpu.memory_space<hbm>> -> memref<1000000x128xf32, #tpu.memory_space<hbm>>
    tpu.wait_indirect_dma semaphore(%arg9 : memref<!tpu.dma_semaphore, #tpu.memory_space<semaphore_mem>>) src(%dma_wait3A_441 : memref<1000000x128xf32, #tpu.memory_space<hbm>>) dst(%dma_wait3A_436 : memref<16x128xf32, #tpu.memory_space<vmem>>)
    %add3A_442 = arith.constant 126 : i32
    %add3A_443 = arith.addi %mul3A_4, %add3A_442 : i32
    %add3A_444 = arith.constant 0 : i32
    %add3A_445 = arith.addi %add3A_443, %add3A_444 : i32
    %add3A_446 = arith.constant 1 : i32
    %add3A_447 = arith.addi %add3A_443, %add3A_446 : i32
    %dma_start3A_448 = arith.constant 0 : i32
    %dma_start3A_449 = arith.constant 0 : i32
    %dma_start3A_450 = tpu.memref_slice %arg8[%dma_start3A_448, %dma_start3A_449] : memref<400x128xf32, #tpu.memory_space<vmem>> -> memref<200x128xf32, #tpu.memory_space<vmem>>
    %dma_start3A_451 = arith.constant 0 : i32
    %dma_start3A_452 = arith.constant 0 : i32
    %dma_start3A_453 = tpu.memref_slice %arg4[%add3A_445, %dma_start3A_451, %dma_start3A_452] : memref<4096x200x128xf32, #tpu.memory_space<hbm>> -> memref<1x200x128xf32, #tpu.memory_space<hbm>>
    %dma_start3A_454 = tpu.memref_squeeze %dma_start3A_453 : memref<1x200x128xf32, #tpu.memory_space<hbm>> -> memref<200x128xf32, #tpu.memory_space<hbm>>
    %dma_start3A_455 = arith.constant 0 : i32
    %dma_start3A_456 = arith.constant 0 : i32
    %dma_start3A_457 = tpu.memref_slice %arg4[%add3A_445, %dma_start3A_455, %dma_start3A_456] : memref<4096x200x128xf32, #tpu.memory_space<hbm>> -> memref<1x200x128xf32, #tpu.memory_space<hbm>>
    %dma_start3A_458 = tpu.memref_squeeze %dma_start3A_457 : memref<1x200x128xf32, #tpu.memory_space<hbm>> -> memref<200x128xf32, #tpu.memory_space<hbm>>
    %dma_start3A_459 = arith.constant 0 : i32
    %dma_start3A_460 = arith.constant 0 : i32
    %dma_start3A_461 = tpu.memref_slice %arg8[%dma_start3A_459, %dma_start3A_460] : memref<400x128xf32, #tpu.memory_space<vmem>> -> memref<200x128xf32, #tpu.memory_space<vmem>>
    tpu.enqueue_dma source(%dma_start3A_461 : memref<200x128xf32, #tpu.memory_space<vmem>>) target(%dma_start3A_458 : memref<200x128xf32, #tpu.memory_space<hbm>>) target_semaphore(%arg11 : memref<!tpu.dma_semaphore, #tpu.memory_space<semaphore_mem>>)
    %dma_start3A_462 = arith.constant 200 : i32
    %dma_start3A_463 = arith.constant 0 : i32
    %dma_start3A_464 = tpu.memref_slice %arg8[%dma_start3A_462, %dma_start3A_463] : memref<400x128xf32, #tpu.memory_space<vmem>> -> memref<200x128xf32, #tpu.memory_space<vmem>>
    %dma_start3A_465 = arith.constant 0 : i32
    %dma_start3A_466 = arith.constant 0 : i32
    %dma_start3A_467 = tpu.memref_slice %arg4[%add3A_447, %dma_start3A_465, %dma_start3A_466] : memref<4096x200x128xf32, #tpu.memory_space<hbm>> -> memref<1x200x128xf32, #tpu.memory_space<hbm>>
    %dma_start3A_468 = tpu.memref_squeeze %dma_start3A_467 : memref<1x200x128xf32, #tpu.memory_space<hbm>> -> memref<200x128xf32, #tpu.memory_space<hbm>>
    %dma_start3A_469 = arith.constant 0 : i32
    %dma_start3A_470 = arith.constant 0 : i32
    %dma_start3A_471 = tpu.memref_slice %arg4[%add3A_447, %dma_start3A_469, %dma_start3A_470] : memref<4096x200x128xf32, #tpu.memory_space<hbm>> -> memref<1x200x128xf32, #tpu.memory_space<hbm>>
    %dma_start3A_472 = tpu.memref_squeeze %dma_start3A_471 : memref<1x200x128xf32, #tpu.memory_space<hbm>> -> memref<200x128xf32, #tpu.memory_space<hbm>>
    %dma_start3A_473 = arith.constant 200 : i32
    %dma_start3A_474 = arith.constant 0 : i32
    %dma_start3A_475 = tpu.memref_slice %arg8[%dma_start3A_473, %dma_start3A_474] : memref<400x128xf32, #tpu.memory_space<vmem>> -> memref<200x128xf32, #tpu.memory_space<vmem>>
    tpu.enqueue_dma source(%dma_start3A_475 : memref<200x128xf32, #tpu.memory_space<vmem>>) target(%dma_start3A_472 : memref<200x128xf32, #tpu.memory_space<hbm>>) target_semaphore(%arg11 : memref<!tpu.dma_semaphore, #tpu.memory_space<semaphore_mem>>)
    %add3A_476 = arith.constant 124 : i32
    %add3A_477 = arith.addi %mul3A_4, %add3A_476 : i32
    %add3A_478 = arith.constant 0 : i32
    %add3A_479 = arith.addi %add3A_477, %add3A_478 : i32
    %add3A_480 = arith.constant 1 : i32
    %add3A_481 = arith.addi %add3A_477, %add3A_480 : i32
    %dma_wait3A_482 = arith.constant 0 : i32
    %dma_wait3A_483 = arith.constant 0 : i32
    %dma_wait3A_484 = tpu.memref_slice %arg7[%dma_wait3A_482, %dma_wait3A_483] : memref<400x128xf32, #tpu.memory_space<vmem>> -> memref<200x128xf32, #tpu.memory_space<vmem>>
    %dma_wait3A_485 = arith.constant 0 : i32
    %dma_wait3A_486 = arith.constant 0 : i32
    %dma_wait3A_487 = tpu.memref_slice %arg4[%add3A_479, %dma_wait3A_485, %dma_wait3A_486] : memref<4096x200x128xf32, #tpu.memory_space<hbm>> -> memref<1x200x128xf32, #tpu.memory_space<hbm>>
    %dma_wait3A_488 = tpu.memref_squeeze %dma_wait3A_487 : memref<1x200x128xf32, #tpu.memory_space<hbm>> -> memref<200x128xf32, #tpu.memory_space<hbm>>
    %dma_wait3A_489 = arith.constant 0 : i32
    %dma_wait3A_490 = arith.constant 0 : i32
    %dma_wait3A_491 = tpu.memref_slice %arg4[%add3A_479, %dma_wait3A_489, %dma_wait3A_490] : memref<4096x200x128xf32, #tpu.memory_space<hbm>> -> memref<1x200x128xf32, #tpu.memory_space<hbm>>
    %dma_wait3A_492 = tpu.memref_squeeze %dma_wait3A_491 : memref<1x200x128xf32, #tpu.memory_space<hbm>> -> memref<200x128xf32, #tpu.memory_space<hbm>>
    %dma_wait3A_493 = arith.constant 0 : i32
    %dma_wait3A_494 = arith.constant 0 : i32
    %dma_wait3A_495 = tpu.memref_slice %arg7[%dma_wait3A_493, %dma_wait3A_494] : memref<400x128xf32, #tpu.memory_space<vmem>> -> memref<200x128xf32, #tpu.memory_space<vmem>>
    tpu.wait_dma2 semaphore(%arg10 : memref<!tpu.dma_semaphore, #tpu.memory_space<semaphore_mem>>) src(%dma_wait3A_495 : memref<200x128xf32, #tpu.memory_space<vmem>>) dst(%dma_wait3A_492 : memref<200x128xf32, #tpu.memory_space<hbm>>)
    %dma_wait3A_496 = arith.constant 200 : i32
    %dma_wait3A_497 = arith.constant 0 : i32
    %dma_wait3A_498 = tpu.memref_slice %arg7[%dma_wait3A_496, %dma_wait3A_497] : memref<400x128xf32, #tpu.memory_space<vmem>> -> memref<200x128xf32, #tpu.memory_space<vmem>>
    %dma_wait3A_499 = arith.constant 0 : i32
    %dma_wait3A_500 = arith.constant 0 : i32
    %dma_wait3A_501 = tpu.memref_slice %arg4[%add3A_481, %dma_wait3A_499, %dma_wait3A_500] : memref<4096x200x128xf32, #tpu.memory_space<hbm>> -> memref<1x200x128xf32, #tpu.memory_space<hbm>>
    %dma_wait3A_502 = tpu.memref_squeeze %dma_wait3A_501 : memref<1x200x128xf32, #tpu.memory_space<hbm>> -> memref<200x128xf32, #tpu.memory_space<hbm>>
    %dma_wait3A_503 = arith.constant 0 : i32
    %dma_wait3A_504 = arith.constant 0 : i32
    %dma_wait3A_505 = tpu.memref_slice %arg4[%add3A_481, %dma_wait3A_503, %dma_wait3A_504] : memref<4096x200x128xf32, #tpu.memory_space<hbm>> -> memref<1x200x128xf32, #tpu.memory_space<hbm>>
    %dma_wait3A_506 = tpu.memref_squeeze %dma_wait3A_505 : memref<1x200x128xf32, #tpu.memory_space<hbm>> -> memref<200x128xf32, #tpu.memory_space<hbm>>
    %dma_wait3A_507 = arith.constant 200 : i32
    %dma_wait3A_508 = arith.constant 0 : i32
    %dma_wait3A_509 = tpu.memref_slice %arg7[%dma_wait3A_507, %dma_wait3A_508] : memref<400x128xf32, #tpu.memory_space<vmem>> -> memref<200x128xf32, #tpu.memory_space<vmem>>
    tpu.wait_dma2 semaphore(%arg10 : memref<!tpu.dma_semaphore, #tpu.memory_space<semaphore_mem>>) src(%dma_wait3A_509 : memref<200x128xf32, #tpu.memory_space<vmem>>) dst(%dma_wait3A_506 : memref<200x128xf32, #tpu.memory_space<hbm>>)
    %add3A_510 = arith.constant 126 : i32
    %add3A_511 = arith.addi %mul3A_4, %add3A_510 : i32
    %add3A_512 = arith.constant 0 : i32
    %add3A_513 = arith.addi %add3A_511, %add3A_512 : i32
    %add3A_514 = arith.constant 1 : i32
    %add3A_515 = arith.addi %add3A_511, %add3A_514 : i32
    %dma_wait3A_516 = arith.constant 0 : i32
    %dma_wait3A_517 = arith.constant 0 : i32
    %dma_wait3A_518 = tpu.memref_slice %arg8[%dma_wait3A_516, %dma_wait3A_517] : memref<400x128xf32, #tpu.memory_space<vmem>> -> memref<200x128xf32, #tpu.memory_space<vmem>>
    %dma_wait3A_519 = arith.constant 0 : i32
    %dma_wait3A_520 = arith.constant 0 : i32
    %dma_wait3A_521 = tpu.memref_slice %arg4[%add3A_513, %dma_wait3A_519, %dma_wait3A_520] : memref<4096x200x128xf32, #tpu.memory_space<hbm>> -> memref<1x200x128xf32, #tpu.memory_space<hbm>>
    %dma_wait3A_522 = tpu.memref_squeeze %dma_wait3A_521 : memref<1x200x128xf32, #tpu.memory_space<hbm>> -> memref<200x128xf32, #tpu.memory_space<hbm>>
    %dma_wait3A_523 = arith.constant 0 : i32
    %dma_wait3A_524 = arith.constant 0 : i32
    %dma_wait3A_525 = tpu.memref_slice %arg4[%add3A_513, %dma_wait3A_523, %dma_wait3A_524] : memref<4096x200x128xf32, #tpu.memory_space<hbm>> -> memref<1x200x128xf32, #tpu.memory_space<hbm>>
    %dma_wait3A_526 = tpu.memref_squeeze %dma_wait3A_525 : memref<1x200x128xf32, #tpu.memory_space<hbm>> -> memref<200x128xf32, #tpu.memory_space<hbm>>
    %dma_wait3A_527 = arith.constant 0 : i32
    %dma_wait3A_528 = arith.constant 0 : i32
    %dma_wait3A_529 = tpu.memref_slice %arg8[%dma_wait3A_527, %dma_wait3A_528] : memref<400x128xf32, #tpu.memory_space<vmem>> -> memref<200x128xf32, #tpu.memory_space<vmem>>
    tpu.wait_dma2 semaphore(%arg11 : memref<!tpu.dma_semaphore, #tpu.memory_space<semaphore_mem>>) src(%dma_wait3A_529 : memref<200x128xf32, #tpu.memory_space<vmem>>) dst(%dma_wait3A_526 : memref<200x128xf32, #tpu.memory_space<hbm>>)
    %dma_wait3A_530 = arith.constant 200 : i32
    %dma_wait3A_531 = arith.constant 0 : i32
    %dma_wait3A_532 = tpu.memref_slice %arg8[%dma_wait3A_530, %dma_wait3A_531] : memref<400x128xf32, #tpu.memory_space<vmem>> -> memref<200x128xf32, #tpu.memory_space<vmem>>
    %dma_wait3A_533 = arith.constant 0 : i32
    %dma_wait3A_534 = arith.constant 0 : i32
    %dma_wait3A_535 = tpu.memref_slice %arg4[%add3A_515, %dma_wait3A_533, %dma_wait3A_534] : memref<4096x200x128xf32, #tpu.memory_space<hbm>> -> memref<1x200x128xf32, #tpu.memory_space<hbm>>
    %dma_wait3A_536 = tpu.memref_squeeze %dma_wait3A_535 : memref<1x200x128xf32, #tpu.memory_space<hbm>> -> memref<200x128xf32, #tpu.memory_space<hbm>>
    %dma_wait3A_537 = arith.constant 0 : i32
    %dma_wait3A_538 = arith.constant 0 : i32
    %dma_wait3A_539 = tpu.memref_slice %arg4[%add3A_515, %dma_wait3A_537, %dma_wait3A_538] : memref<4096x200x128xf32, #tpu.memory_space<hbm>> -> memref<1x200x128xf32, #tpu.memory_space<hbm>>
    %dma_wait3A_540 = tpu.memref_squeeze %dma_wait3A_539 : memref<1x200x128xf32, #tpu.memory_space<hbm>> -> memref<200x128xf32, #tpu.memory_space<hbm>>
    %dma_wait3A_541 = arith.constant 200 : i32
    %dma_wait3A_542 = arith.constant 0 : i32
    %dma_wait3A_543 = tpu.memref_slice %arg8[%dma_wait3A_541, %dma_wait3A_542] : memref<400x128xf32, #tpu.memory_space<vmem>> -> memref<200x128xf32, #tpu.memory_space<vmem>>
    tpu.wait_dma2 semaphore(%arg11 : memref<!tpu.dma_semaphore, #tpu.memory_space<semaphore_mem>>) src(%dma_wait3A_543 : memref<200x128xf32, #tpu.memory_space<vmem>>) dst(%dma_wait3A_540 : memref<200x128xf32, #tpu.memory_space<hbm>>)
    return
  }
}

</mosaic_0001>

<sc_bundles>
// kernel: _embedding_gather.3.cloned.1.call-start
scs
__scs_entry_jumppad:
0x0: {  	(pc) =	sbr.rel $0x88, $3  }
0x1: {  	(tag) =	ssettag $0x0;
	lr =	simm.s32 $0x1  }
0x2: {  	[smem:$0x3F9F] =	sst lr;
	_ =	strace $0xD0000000  }
0x3: {  	_ = 	snop  }
0x4: {  	_ = 	snop  }
0x5: {  	_ = 	snop  }
0x6: {  	_ = 	snop  }
0x7: {  	_ = 	snop  }
__scs_overlays_trampoline_lowered:
0x8: {  	[smem:$0x3FAE] =	sst s0  }
0x9: {  	[smem:$0x3FAF] =	sst s1  }
0xa: {  	[smem:$0x3FB0] =	sst s2  }
0xb: {  	[smem:$0x3FB1] =	sst s3  }
0xc: {  	[smem:$0x3FB2] =	sst s4  }
0xd: {  	[smem:$0x3FB3] =	sst s5  }
0xe: {  	[smem:$0x3FB4] =	sst s6  }
0xf: {  	[smem:$0x3FB5] =	sst s7  }
0x10: {  	[smem:$0x3FB6] =	sst s8  }
0x11: {  	[smem:$0x3FB7] =	sst s9;
	s0 =	simm.s32 @!p0 $0x0  }
0x12: {  	s1 =	sld [smem:$0x3F9D];
	s0 =	simm.s32 @p0 $0x1  }
0x13: {  	[smem:$0x3FB8] =	sst s0;
	s0 =	simm.s32 @!p1 $0x0  }
0x14: {  	s2 =	sld [smem:$0x3F9C];
	s0 =	simm.s32 @p1 $0x1  }
0x15: {  	[smem:$0x3FB9] =	sst s0;
	s0 =	simm.s32 @!p2 $0x0  }
0x16: {  	s3 =	sld [smem:$0x3FDB];
	s0 =	simm.s32 @p2 $0x1  }
0x17: {  	s4 =	simm.s32 $0x1BF5;
	[smem:$0x3FBB] =	sst s0  }
0x18: {  	s0 =	sld [smem:$0x3F9E];
	_ =	swait.ge [sflag:s4], $0x0  }
0x19: {  	s7 =	sld [smem:$0x3F9F]  }
0x1a: {  	s8 =	sadd.s32 $0xFFFFE003, lr  }
0x1b: {  	s9 =	sadd.s32 $0xFFFFFEF7, lr;
	s5 =	simm.s32 $0xFFFFFFFF;
	p2 =	slt.u32 s8, $0xFFFFF086  }
0x1c: {  	p1 =	slt.u32 s9, $0xF7A;
	s5 =	simm.s32 @!p2 $0x0  }
0x1d: {  	s5 =	simm.s32 @p1 $0x1;
	p0 =	seq.s32 s7, s2  }
0x1e: {  	s7 =	smul.u32 @!p0 $0xF7A, s2;
	p2 =	seq.s32 @!p0 s5, $0x0  }
0x1f: {  	s9 =	smul.u32 $0xF7A, s1;
	s8 =	simm.s32 @!p0 $0x1BF5;
	p2 =	por !p2, p0  }
0x20: {  	[sflag:s8] =	ssyncset.s32 @!p0 $0xFFFFF086;
	s6 =	sadd.s32 @!p0 s3, s7;
	s7 =	simm.s32 @!p0 $0x108  }
0x21: {  	s3 =	sadd.s32 s3, s9;
	s6 =	sadd.s32 @!p0 $0x88, s6;
	s7 =	simm.s32 @p2 $0x1082  }
0x22: {  	[simem:s7], [sflag:s8] =	dma.local @!p0 [hbm:s6], $0xF7A  }
0x23: {  	s9 =	sor.u32 $0xD0000000, s2;
	s6 =	simm.s32 $0x108;
	_ =	swait.ge @!p0 [sflag:s8], $0x0  }
0x24: {  	s3 =	sadd.s32 $0x88, s3;
	s6 =	simm.s32 @!p1 $0x1082;
	[sflag:s4] =	ssyncset.s32 $0xFFFFF086  }
0x25: {  	[simem:s6], [sflag:s4] =	dma.local [hbm:s3], $0xF7A  }
0x26: {  	[smem:$0x3F9F] =	sst s1;
	(tag) =	ssettag s2;
	_ =	strace s9  }
0x27: {  	s1 =	sld [smem:$0x3FAF]  }
0x28: {  	s2 =	sld [smem:$0x3FB0]  }
0x29: {  	s4 =	sld [smem:$0x3FB2]  }
0x2a: {  	p0 =	seq.s32 s5, $0x0;
	s5 =	sld [smem:$0x3FB3]  }
0x2b: {  	s6 =	sld [smem:$0x3FB4]  }
0x2c: {  	s7 =	sld [smem:$0x3FB5]  }
0x2d: {  	s3 =	simm.s32 $0x108;
	s8 =	sld [smem:$0x3FB6]  }
0x2e: {  	s3 =	simm.s32 @!p0 $0x1082;
	s9 =	sld [smem:$0x3FB7]  }
0x2f: {  	lr =	sadd.s32 s0, s3;
	s0 =	sld [smem:$0x3FAE]  }
0x30: {  	s3 =	sld [smem:$0x3FB1]  }
0x31: {  	[smem:$0x3FBA] =	sst s10  }
0x32: {  	s10 =	sld [smem:$0x3FB8];
	_ =	sdelay $0x3  }
0x33: {  	p0 =	seq.s32 s10, $0x1;
	s10 =	sld [smem:$0x3FBA];
	_ =	sdelay $0x3  }
0x34: {  	[smem:$0x3FBA] =	sst s10  }
0x35: {  	s10 =	sld [smem:$0x3FB9];
	_ =	sdelay $0x3  }
0x36: {  	p1 =	seq.s32 s10, $0x1;
	s10 =	sld [smem:$0x3FBA];
	_ =	sdelay $0x3  }
0x37: {  	[smem:$0x3FBA] =	sst s10  }
0x38: {  	s10 =	sld [smem:$0x3FBB]  }
0x39: {  	_ = 	snop;
	(pc) =	sbr.ind lr, $3  }
0x3a: {  	_ = 	snop  }
0x3b: {  	_ = 	snop  }
0x3c: {  	p2 =	seq.s32 s10, $0x1;
	s10 =	sld [smem:$0x3FBA]  }
0x3d: {  	_ =	shalt  }
0x3e: {  	_ =	shalt  }
0x3f: {  	_ =	shalt  }
0x40: {  	_ =	shalt  }
0x41: {  	_ =	shalt  }
0x42: {  	_ =	shalt  }
0x43: {  	_ =	shalt  }
0x44: {  	_ =	shalt  }
0x45: {  	_ =	shalt  }
0x46: {  	_ =	shalt  }
0x47: {  	_ =	shalt  }
0x48: {  	_ =	shalt  }
0x49: {  	_ =	shalt  }
0x4a: {  	_ =	shalt  }
0x4b: {  	_ =	shalt  }
0x4c: {  	_ =	shalt  }
0x4d: {  	_ =	shalt  }
0x4e: {  	_ =	shalt  }
0x4f: {  	_ =	shalt  }
0x50: {  	_ =	shalt  }
0x51: {  	_ =	shalt  }
0x52: {  	_ =	shalt  }
0x53: {  	_ =	shalt  }
0x54: {  	_ =	shalt  }
0x55: {  	_ =	shalt  }
0x56: {  	_ =	shalt  }
0x57: {  	_ =	shalt  }
0x58: {  	_ =	shalt  }
0x59: {  	_ =	shalt  }
0x5a: {  	_ =	shalt  }
0x5b: {  	_ =	shalt  }
0x5c: {  	_ =	shalt  }
0x5d: {  	_ =	shalt  }
0x5e: {  	_ =	shalt  }
0x5f: {  	_ =	shalt  }
0x60: {  	_ =	shalt  }
0x61: {  	_ =	shalt  }
0x62: {  	_ =	shalt  }
0x63: {  	_ =	shalt  }
0x64: {  	_ =	shalt  }
0x65: {  	_ =	shalt  }
0x66: {  	_ =	shalt  }
0x67: {  	_ =	shalt  }
0x68: {  	_ =	shalt  }
0x69: {  	_ =	shalt  }
0x6a: {  	_ =	shalt  }
0x6b: {  	_ =	shalt  }
0x6c: {  	_ =	shalt  }
0x6d: {  	_ =	shalt  }
0x6e: {  	_ =	shalt  }
0x6f: {  	_ =	shalt  }
0x70: {  	_ =	shalt  }
0x71: {  	_ =	shalt  }
0x72: {  	_ =	shalt  }
0x73: {  	_ =	shalt  }
0x74: {  	_ =	shalt  }
0x75: {  	_ =	shalt  }
0x76: {  	_ =	shalt  }
0x77: {  	_ =	shalt  }
0x78: {  	_ =	shalt  }
0x79: {  	_ =	shalt  }
0x7a: {  	_ =	shalt  }
0x7b: {  	_ =	shalt  }
0x7c: {  	_ =	shalt  }
0x7d: {  	_ =	shalt  }
0x7e: {  	_ =	shalt  }
0x7f: {  	_ =	shalt  }
0x80: {  	_ =	shalt  }
0x81: {  	_ =	shalt  }
0x82: {  	_ =	shalt  }
0x83: {  	_ =	shalt  }
0x84: {  	_ =	shalt  }
0x85: {  	_ =	shalt  }
0x86: {  	_ =	shalt  }
0x87: {  	_ =	shalt  }
.Lfunc_end0:
.L_simem_size_0:
called_computation_lowered:
.L_overlay_start_0:
0x88: {  	s2 =	sld [smem:$0x3FD9]  }
0x89: {  	s3 =	sld [smem:$0x3FFE];
	_ =	sdelay $0x1  }
0x8a: {  	s1 =	srdreg.scid  }
0x8b: {  	s0 =	sand.u32 $0x1, s1  }
0x8c: {  	s18 =	sshll.u32 s0, $0xA;
	s2 =	sadd.s32 s3, s2  }
0x8d: {  	s2 =	sadd.s32 s2, s18  }
0x8e: {  	[smem:$0x3FC6] =	sst s2  }
0x8f: {  	_ = 	snop  }
0x90: {  	s2 =	sld [smem:$0x3FC9]  }
0x91: {  	s19 =	sld [smem:$0x3FC8]  }
0x92: {  	s4 =	sld [smem:$0x3FD0];
	(tm) =	ssettm $0x1  }
0x93: {  	s5 =	sld [smem:$0x3FFB];
	_ =	sdelay $0x3  }
0x94: {  	_ =	strace s5  }
0x95: {  	s5 =	sld [smem:$0x3FFC];
	_ =	sdelay $0x3  }
0x96: {  	_ =	strace s5  }
0x97: {  	s5 =	sld [smem:$0x3FFD];
	_ =	sdelay $0x3  }
0x98: {  	_ =	strace s5  }
0x99: {  	_ =	strace $0x8FFFFFFF  }
0x9a: {  	s20 =	sld [smem:$0x3FDB];
	_ =	sdelay $0x1  }
0x9b: {  	s6 =	simm.s32 $_scs_section_size  }
0x9c: {  	s7 =	simm.s32 $_size__tile_overlayer_lowered;
	s8 =	simm.s32 $_tile_overlayer_lowered  }
0x9d: {  	s23 =	simm.s32 $0x1BFF;
	s22 =	sshll.u32 s8, $0x1;
	s5 =	sadd.s32 s6, s20  }
0x9e: {  	s9 =	simm.s32 $0x0;
	s21 =	sshll.u32 s7, $0x1;
	s7 =	sadd.s32 s22, s5  }
0x9f: {  	[timem:s9], [sflag:s23] =	dma.local [hbm:s7], s21  }
0xa0: {  	_ =	swait.ge [sflag:s23], s21  }
0xa1: {  	s6 =	ssub.s32 $0x0, s21;
	[sflag:s23] =	ssyncset.done $0x0  }
0xa2: {  	[sflag:s23] =	ssyncadd.s32 s6;
	_ =	sdelay $0x1  }
0xa3: {  	s24 =	simm.s32 $0x1B8B  }
0xa4: {  	_ =	swait.ge [sflag:s24], $0x1  }
0xa5: {  	[sflag:s24] =	ssyncset.done $0x0  }
0xa6: {  	s25 =	simm.s32 $0x1B8E;
	[sflag:s24] =	ssyncadd.s32 $0xFFFFFFFF  }
0xa7: {  	s26 =	simm.s32 $execute0_lowered;
	[smem:$0x3FD2] =	sst s25  }
0xa8: {  	s6 =	sshll.u32 s26, $0x1;
	_ =	strace $0x80000046;
	[dreg:$0x1] =	wrdreg $0xFFFFFFFF  }
0xa9: {  	s28 =	simm.s32 $_size_execute0_lowered;
	s5 =	sadd.s32 s5, s6;
	[dreg:$0x0] =	wrdreg $0x0  }
0xaa: {  	s6 =	sshll.u32 s28, $0x1;
	[dreg:$0x2] =	wrdreg s5  }
0xab: {  	[dreg:$0x3] =	wrdreg s6  }
0xac: {  	[dreg:$0x4] =	wrdreg $0xC0  }
0xad: {  	_ =	task [dreg:s9], $0x5FFFF  }
0xae: {  	[dreg:$0x1] =	wrdreg $0xFFFFFFFF  }
0xaf: {  	[dreg:$0x0] =	wrdreg $0x60  }
0xb0: {  	[dreg:$0x2] =	wrdreg s2  }
0xb1: {  	[dreg:$0x3] =	wrdreg s19  }
0xb2: {  	[dreg:$0x4] =	wrdreg s4  }
0xb3: {  	[dreg:$0x5] =	wrdreg $0x9  }
0xb4: {  	_ =	task.clear_ibuf [dreg:s9], $0x6FFFF;
	_ =	strace $0x90000046  }
0xb5: {  	s29 =	simm.s32 $0x9;
	_ =	strace $0x80000048  }
0xb6: {  	_ =	swait.ge [sflag:s29], $0x1  }
0xb7: {  	[sflag:s29] =	ssyncadd.s32 $0xFFFFFFFF  }
0xb8: {  	_ =	strace $0x90000048  }
0xb9: {  	_ =	sfence  }
0xba: {  	s30 =	sld [smem:$0x0];
	_ =	sdelay $0x2  }
0xbb: {  	s31 =	sshll.u32 s1, $0xD;
	s1 =	sshrl.u32 s1, $0x2  }
0xbc: {  	s3 =	sand.u32 $0x4000, s31;
	s1 =	sadd.s32 s1, s30  }
0xbd: {  	s0 =	sor.u32 s3, s0;
	s1 =	sshll.u32 s1, $0x11  }
0xbe: {  	s0 =	sor.u32 s1, s0  }
0xbf: {  	s0 =	sadd.s32 $0x8F2B, s0  }
0xc0: {  	[sflag:s0] =	ssyncadd.remote.s32 $0x1  }
0xc1: {  	_ =	sfence.sel $0xFFFF  }
0xc2: {  	[dreg:$0x0] =	wrdreg $0xFFFFFFFF;
	(pc) =	sbr.abs _section_cstart, $3  }
0xc3: {  	[dreg:$0x1] =	wrdreg $0xFFFFFFFF  }
0xc4: {  	_ =	task.clear_ibuf [dreg:s9], $0x2FFFF;
	_ =	strace $0x9FFFFFFF  }
0xc5: {  	(tm) =	ssettm $0x7FFFFFFF  }
tec
execute0_lowered:
.L_overlay_start_1:
0x0: {  	(tag) =	ssettag $0x1  }
0x1: {  	s0 =	rddreg [dreg:$0x0];
	s11 =	stileid.u32  }
0x2: {  	s1 =	srdreg.scid;
	s24 =	smul.u32 $0xC800, s11  }
0x3: {  	s2 =	rddreg [dreg:$0x1];
	s1 =	sand.u32 $0x1, s1;
	s13 =	smul.u32 $0x640000, s11  }
0x4: {  	s4 =	rddreg [dreg:$0x2];
	s26 =	smul.u32 $0x6400, s1  }
0x5: {  	s28 =	simm.s32 $0xC400;
	s3 =	sshll.u32 s11, $0x1;
	s15 =	smul.u32 $0x320000, s1  }
0x6: {  	s5 =	sor.u32 s1, s3;
	s7 =	ssub.s32 $0x2, s1;
	s1 =	smul.u32 $0x64000, s1  }
0x7: {  	s29 =	simm.s32 $0x200;
	s30 =	simm.s32 $0x1;
	s6 =	smul.u32 $0x6400, s5  }
0x8: {  	s31 =	simm.s32 $0x6800;
	s3 =	simm.s32 $0x0;
	s9 =	smul.u32 $0x64000, s5  }
0x9: {  	[smem:$0x7FF] =	sst s3;
	s8 =	sshrl.u32 s7, $0x1;
	s5 =	smul.u32 $0x320000, s5  }
0xa: {  	_ =	strace $0x80000047;
	s7 =	ssub.s32 s7, s8;
	s18 =	sadd.s32 s26, s24  }
0xb: {  	s19 =	sadd.s32 s15, s13;
	s13 =	simm.s32 $0x3;
	s9 =	sadd.s32 s4, s9  }
0xc: {  	s6 =	sshrl.u32 s6, $0x3;
	s17 =	smax.u32 s7, $0x1;
	[dreg:$0x9] =	wrdreg s9  }
0xd: {  	s5 =	sshrl.u32 s5, $0x3;
	s22 =	sadd.s32 $0xC80, s9;
	[dreg:$0x13] =	wrdreg s17  }
0xe: {  	s20 =	sadd.s32 $0x640, s18;
	s25 =	sadd.s32 $0x1900, s9;
	[dreg:$0xa] =	wrdreg s22  }
0xf: {  	s21 =	sor.u32 $0x1F400, s19;
	s9 =	sadd.s32 $0x2580, s9;
	[dreg:$0xc] =	wrdreg s25  }
0x10: {  	s24 =	sadd.s32 $0x4B0, s18;
	s10 =	sadd.s32 s0, s6;
	[dreg:$0xd] =	wrdreg s9  }
0x11: {  	s5 =	sadd.s32 s4, s5;
	s6 =	sadd.s32 $0x32, s10;
	[dreg:$0x7] =	wrdreg s10  }
0x12: {  	s7 =	sshrl.u32 s20, $0x3;
	s23 =	sadd.s32 $0x64, s10;
	[dreg:$0x8] =	wrdreg s6  }
0x13: {  	s8 =	sshrl.u32 s21, $0x3;
	s10 =	sadd.s32 $0xC4E, s10;
	[dreg:$0xb] =	wrdreg s23  }
0x14: {  	s26 =	sshrl.u32 s24, $0x3;
	s14 =	sadd.s32 $0x60E00, s5;
	[dreg:$0xe] =	wrdreg s10  }
0x15: {  	s20 =	simm.s32 $0x80;
	s12 =	sadd.s32 $0x61A80, s5;
	[dreg:$0xf] =	wrdreg s14  }
0x16: {  	s21 =	simm.s32 $0x400;
	s16 =	sadd.s32 $0x62700, s5;
	[dreg:$0x10] =	wrdreg s12  }
0x17: {  	s24 =	simm.s32 $0x8400;
	s5 =	sadd.s32 $0x63380, s5;
	[dreg:$0x11] =	wrdreg s16  }
0x18: {  	s22 =	smul.u32 $0xC8000, s11;
	s8 =	sadd.s32 s8, s4;
	[dreg:$0x12] =	wrdreg s5  }
0x19: {  	s25 =	sadd.s32 s7, s0;
	s0 =	sadd.s32 s26, s0;
	[dreg:$0x4] =	wrdreg s8  }
0x1a: {  	s26 =	simm.s32 $0x180;
	s7 =	simm.s32 $0x300;
	[dreg:$0x14] =	wrdreg s25  }
0x1b: {  	s11 =	simm.s32 $0x13000;
	s6 =	sadd.s32 $0x2BC00, s19;
	[dreg:$0x15] =	wrdreg s0  }
0x1c: {  	s19 =	simm.s32 $0x4;
	s25 =	simm.s32 $0x10;
	s0 =	simm.s32 $0x280  }
0x1d: {  	s5 =	simm.s32 $0x10C00;
	s8 =	simm.s32 $0x14C00;
	s10 =	simm.s32 $0x18C00  }
0x1e: {  	s12 =	simm.s32 $0x2;
	s9 =	sadd.s32 s22, s4;
	s6 =	sshrl.u32 s6, $0x3  }
0x1f: {  	s22 =	simm.s32 $0x4400;
	s1 =	sadd.s32 s1, s9;
	s23 =	sadd.s32 s6, s4  }
0x20: {  	s9 =	simm.s32 $0x380;
	s6 =	simm.s32 $0x0;
	[dreg:$0x5] =	wrdreg s1  }
0x21: {  	[dreg:$0x6] =	wrdreg s23;
	s23 =	simm.s32 $0x100;
	s1 =	simm.s32 $0xCC00  }
.LBB2_1:
0x22: {  	[dreg:$0x16] =	wrdreg s6  }
0x23: {  	s4 =	rddreg [dreg:$0x7]  }
0x24: {  	[tilespmem:s3], [sflag:$0x4] =	stream.linear.gather [hbm4b:s4+s3], $0x190, $0x38;
	[tilespmem:$0x19400] =	vst v63  }
0x25: {  	_ =	swait.ge [sflag:s19], $0x190  }
0x26: {  	[sflag:s19] =	ssyncset.done $0x0  }
0x27: {  	[sflag:s19] =	ssyncadd.s32 $0xFFFFFE70  }
0x28: {  	[tilespmem:s21], [sflag:$0x1] =	stream.indirect.gather [hbm4b:s2+s20], $0x80, s3, s20, $0xb8;
	[tilespmem:$0x19400] =	vst v63  }
0x29: {  	_ = 	snop  }
0x2a: {  	[tilespmem:s22], [sflag:$0x1] =	stream.indirect.gather [hbm4b:s2+s20], $0x80, s20, s20, $0xb8;
	[tilespmem:$0x19400] =	vst v63  }
0x2b: {  	_ = 	snop  }
0x2c: {  	[tilespmem:s24], [sflag:$0x1] =	stream.indirect.gather [hbm4b:s2+s20], $0x80, s23, s20, $0xb8;
	[tilespmem:$0x19400] =	vst v63  }
0x2d: {  	_ = 	snop  }
0x2e: {  	[tilespmem:s28], [sflag:$0x1] =	stream.indirect.gather [hbm4b:s2+s25], $0x80, s26, s25, $0xb8;
	[tilespmem:$0x19400] =	vst v63  }
0x2f: {  	s15 =	rddreg [dreg:$0x8]  }
0x30: {  	[tilespmem:s29], [sflag:$0x4] =	stream.linear.gather [hbm4b:s15+s3], $0x190, $0x38;
	[tilespmem:$0x19400] =	vst v63  }
0x31: {  	_ =	swait.ge [sflag:s19], $0x190  }
0x32: {  	[sflag:s19] =	ssyncset.done $0x0  }
0x33: {  	[sflag:s19] =	ssyncadd.s32 $0xFFFFFE70  }
0x34: {  	_ =	swait.ge [sflag:s30], $0x4000  }
0x35: {  	[sflag:s30] =	ssyncset.done $0x0  }
0x36: {  	[sflag:s30] =	ssyncadd.s32 $0xFFFFC000  }
0x37: {  	_ =	swait.ge [sflag:s30], $0x4000  }
0x38: {  	[sflag:s30] =	ssyncset.done $0x0  }
0x39: {  	[sflag:s30] =	ssyncadd.s32 $0xFFFFC000  }
0x3a: {  	_ =	swait.ge [sflag:s30], $0x4000  }
0x3b: {  	[sflag:s30] =	ssyncset.done $0x0  }
0x3c: {  	[sflag:s30] =	ssyncadd.s32 $0xFFFFC000  }
0x3d: {  	_ =	swait.ge [sflag:s30], $0x800  }
0x3e: {  	[sflag:s30] =	ssyncset.done $0x0  }
0x3f: {  	s16 =	rddreg [dreg:$0x9];
	[sflag:s30] =	ssyncadd.s32 $0xFFFFF800  }
0x40: {  	[hbm4b:s16+s3] =	stream.linear.scatter [tilespmem:s21], [sflag:$0x2], $0x6400, $0x38;
	[tilespmem:$0x19400] =	vst v63  }
0x41: {  	s17 =	rddreg [dreg:$0xa]  }
0x42: {  	[hbm4b:s17+s3] =	stream.linear.scatter [tilespmem:s31], [sflag:$0x2], $0x6400, $0x38;
	[tilespmem:$0x19400] =	vst v63  }
0x43: {  	_ = 	snop  }
0x44: {  	[tilespmem:s1], [sflag:$0x1] =	stream.indirect.gather [hbm4b:s2+s20], $0x80, s29, s20, $0xb8;
	[tilespmem:$0x19400] =	vst v63  }
0x45: {  	_ = 	snop  }
0x46: {  	[tilespmem:s5], [sflag:$0x1] =	stream.indirect.gather [hbm4b:s2+s20], $0x80, s0, s20, $0xb8;
	[tilespmem:$0x19400] =	vst v63  }
0x47: {  	_ = 	snop  }
0x48: {  	[tilespmem:s8], [sflag:$0x1] =	stream.indirect.gather [hbm4b:s2+s20], $0x80, s7, s20, $0xb8;
	[tilespmem:$0x19400] =	vst v63  }
0x49: {  	_ = 	snop  }
0x4a: {  	[tilespmem:s10], [sflag:$0x1] =	stream.indirect.gather [hbm4b:s2+s25], $0x80, s9, s25, $0xb8;
	[tilespmem:$0x19400] =	vst v63  }
0x4b: {  	s18 =	rddreg [dreg:$0xb]  }
0x4c: {  	[tilespmem:s3], [sflag:$0x4] =	stream.linear.gather [hbm4b:s18+s3], $0x190, $0x38;
	[tilespmem:$0x19400] =	vst v63  }
0x4d: {  	_ =	swait.ge [sflag:s19], $0x190  }
0x4e: {  	[sflag:s19] =	ssyncset.done $0x0  }
0x4f: {  	[sflag:s19] =	ssyncadd.s32 $0xFFFFFE70  }
0x50: {  	_ =	swait.ge [sflag:s30], $0x4000  }
0x51: {  	[sflag:s30] =	ssyncset.done $0x0  }
0x52: {  	[sflag:s30] =	ssyncadd.s32 $0xFFFFC000  }
0x53: {  	_ =	swait.ge [sflag:s30], $0x4000  }
0x54: {  	[sflag:s30] =	ssyncset.done $0x0  }
0x55: {  	[sflag:s30] =	ssyncadd.s32 $0xFFFFC000  }
0x56: {  	_ =	swait.ge [sflag:s30], $0x4000  }
0x57: {  	[sflag:s30] =	ssyncset.done $0x0  }
0x58: {  	[sflag:s30] =	ssyncadd.s32 $0xFFFFC000  }
0x59: {  	_ =	swait.ge [sflag:s30], $0x800  }
0x5a: {  	[sflag:s30] =	ssyncset.done $0x0  }
0x5b: {  	s6 =	rddreg [dreg:$0xc];
	[sflag:s30] =	ssyncadd.s32 $0xFFFFF800  }
0x5c: {  	[hbm4b:s6+s3] =	stream.linear.scatter [tilespmem:s1], [sflag:$0x3], $0x6400, $0x38;
	[tilespmem:$0x19400] =	vst v63  }
0x5d: {  	s14 =	rddreg [dreg:$0xd]  }
0x5e: {  	[hbm4b:s14+s3] =	stream.linear.scatter [tilespmem:s11], [sflag:$0x3], $0x6400, $0x38;
	[tilespmem:$0x19400] =	vst v63  }
0x5f: {  	_ =	swait.ge [sflag:s12], $0x6400  }
0x60: {  	[sflag:s12] =	ssyncset.done $0x0  }
0x61: {  	[sflag:s12] =	ssyncadd.s32 $0xFFFF9C00  }
0x62: {  	_ =	swait.ge [sflag:s12], $0x6400  }
0x63: {  	[sflag:s12] =	ssyncset.done $0x0  }
0x64: {  	[sflag:s12] =	ssyncadd.s32 $0xFFFF9C00  }
0x65: {  	[tilespmem:s21], [sflag:$0x1] =	stream.indirect.gather [hbm4b:s2+s20], $0x80, s3, s20, $0xb8;
	[tilespmem:$0x19400] =	vst v63  }
0x66: {  	_ = 	snop  }
0x67: {  	[tilespmem:s22], [sflag:$0x1] =	stream.indirect.gather [hbm4b:s2+s20], $0x80, s20, s20, $0xb8;
	[tilespmem:$0x19400] =	vst v63  }
0x68: {  	_ = 	snop  }
0x69: {  	[tilespmem:s24], [sflag:$0x1] =	stream.indirect.gather [hbm4b:s2+s20], $0x80, s23, s20, $0xb8;
	[tilespmem:$0x19400] =	vst v63  }
0x6a: {  	_ = 	snop  }
0x6b: {  	[tilespmem:s28], [sflag:$0x1] =	stream.indirect.gather [hbm4b:s2+s25], $0x80, s26, s25, $0xb8;
	[tilespmem:$0x19400] =	vst v63  }
0x6c: {  	s17 =	rddreg [dreg:$0x15]  }
0x6d: {  	[tilespmem:s29], [sflag:$0x4] =	stream.linear.gather [hbm4b:s17+s3], $0x190, $0x38;
	[tilespmem:$0x19400] =	vst v63  }
0x6e: {  	_ =	swait.ge [sflag:s19], $0x190  }
0x6f: {  	[sflag:s19] =	ssyncset.done $0x0  }
0x70: {  	[sflag:s19] =	ssyncadd.s32 $0xFFFFFE70  }
0x71: {  	_ =	swait.ge [sflag:s30], $0x4000  }
0x72: {  	[sflag:s30] =	ssyncset.done $0x0  }
0x73: {  	[sflag:s30] =	ssyncadd.s32 $0xFFFFC000  }
0x74: {  	_ =	swait.ge [sflag:s30], $0x4000  }
0x75: {  	[sflag:s30] =	ssyncset.done $0x0  }
0x76: {  	[sflag:s30] =	ssyncadd.s32 $0xFFFFC000  }
0x77: {  	_ =	swait.ge [sflag:s30], $0x4000  }
0x78: {  	[sflag:s30] =	ssyncset.done $0x0  }
0x79: {  	[sflag:s30] =	ssyncadd.s32 $0xFFFFC000  }
0x7a: {  	_ =	swait.ge [sflag:s30], $0x800  }
0x7b: {  	s15 =	rddreg [dreg:$0x5]  }
0x7c: {  	[sflag:s30] =	ssyncset.done $0x0;
	s4 =	sadd.s32 $0x0, s15  }
0x7d: {  	s16 =	rddreg [dreg:$0x4];
	[sflag:s30] =	ssyncadd.s32 $0xFFFFF800;
	s15 =	sadd.s32 $0x3200, s4  }
0x7e: {  	[hbm4b:s15+s3] =	stream.linear.scatter [tilespmem:s21], [sflag:$0x2], $0x6400, $0x38;
	[tilespmem:$0x19400] =	vst v63  }
0x7f: {  	s6 =	sadd.s32 $0x0, s16  }
0x80: {  	[hbm4b:s6+s3] =	stream.linear.scatter [tilespmem:s31], [sflag:$0x2], $0x6400, $0x38;
	[tilespmem:$0x19400] =	vst v63  }
0x81: {  	_ =	swait.ge [sflag:s13], $0x6400  }
0x82: {  	[sflag:s13] =	ssyncset.done $0x0  }
0x83: {  	[sflag:s13] =	ssyncadd.s32 $0xFFFF9C00  }
0x84: {  	_ =	swait.ge [sflag:s13], $0x6400  }
0x85: {  	[sflag:s13] =	ssyncset.done $0x0  }
0x86: {  	[sflag:s13] =	ssyncadd.s32 $0xFFFF9C00  }
0x87: {  	[tilespmem:s1], [sflag:$0x1] =	stream.indirect.gather [hbm4b:s2+s20], $0x80, s29, s20, $0xb8;
	[tilespmem:$0x19400] =	vst v63  }
0x88: {  	_ = 	snop  }
0x89: {  	[tilespmem:s5], [sflag:$0x1] =	stream.indirect.gather [hbm4b:s2+s20], $0x80, s0, s20, $0xb8;
	[tilespmem:$0x19400] =	vst v63  }
0x8a: {  	_ = 	snop  }
0x8b: {  	[tilespmem:s8], [sflag:$0x1] =	stream.indirect.gather [hbm4b:s2+s20], $0x80, s7, s20, $0xb8;
	[tilespmem:$0x19400] =	vst v63  }
0x8c: {  	_ = 	snop  }
0x8d: {  	[tilespmem:s10], [sflag:$0x1] =	stream.indirect.gather [hbm4b:s2+s25], $0x80, s9, s25, $0xb8;
	[tilespmem:$0x19400] =	vst v63  }
0x8e: {  	s14 =	rddreg [dreg:$0x14]  }
0x8f: {  	[tilespmem:s3], [sflag:$0x4] =	stream.linear.gather [hbm4b:s14+s3], $0x190, $0x38;
	[tilespmem:$0x19400] =	vst v63  }
0x90: {  	_ =	swait.ge [sflag:s19], $0x190  }
0x91: {  	[sflag:s19] =	ssyncset.done $0x0  }
0x92: {  	[sflag:s19] =	ssyncadd.s32 $0xFFFFFE70  }
0x93: {  	_ =	swait.ge [sflag:s30], $0x4000  }
0x94: {  	[sflag:s30] =	ssyncset.done $0x0  }
0x95: {  	[sflag:s30] =	ssyncadd.s32 $0xFFFFC000  }
0x96: {  	_ =	swait.ge [sflag:s30], $0x4000  }
0x97: {  	[sflag:s30] =	ssyncset.done $0x0  }
0x98: {  	[sflag:s30] =	ssyncadd.s32 $0xFFFFC000  }
0x99: {  	_ =	swait.ge [sflag:s30], $0x4000  }
0x9a: {  	[sflag:s30] =	ssyncset.done $0x0  }
0x9b: {  	[sflag:s30] =	ssyncadd.s32 $0xFFFFC000  }
0x9c: {  	_ =	swait.ge [sflag:s30], $0x800  }
0x9d: {  	s4 =	sadd.s32 $0x4B00, s4;
	[sflag:s30] =	ssyncset.done $0x0  }
0x9e: {  	s15 =	simm.s32 $0x3200;
	s18 =	rddreg [dreg:$0x6];
	[sflag:s30] =	ssyncadd.s32 $0xFFFFF800  }
0x9f: {  	[hbm4b:s4+s3] =	stream.linear.scatter [tilespmem:s1], [sflag:$0x3], $0x6400, $0x38;
	[tilespmem:$0x19400] =	vst v63  }
0xa0: {  	s16 =	sadd.s32 $0x64, s14;
	s6 =	sadd.s32 $0x0, s18;
	s4 =	sadd.s32 $0x64, s17  }
.LBB2_2:
0xa1: {  	[hbm4b:s6+s3] =	stream.linear.scatter [tilespmem:s11], [sflag:$0x3], $0x6400, $0x38;
	[tilespmem:$0x19400] =	vst v63  }
0xa2: {  	_ =	swait.ge [sflag:s12], $0x6400  }
0xa3: {  	[sflag:s12] =	ssyncset.done $0x0  }
0xa4: {  	[sflag:s12] =	ssyncadd.s32 $0xFFFF9C00  }
0xa5: {  	_ =	swait.ge [sflag:s12], $0x6400  }
0xa6: {  	[sflag:s12] =	ssyncset.done $0x0  }
0xa7: {  	[sflag:s12] =	ssyncadd.s32 $0xFFFF9C00  }
0xa8: {  	[tilespmem:s21], [sflag:$0x1] =	stream.indirect.gather [hbm4b:s2+s20], $0x80, s3, s20, $0xb8;
	[tilespmem:$0x19400] =	vst v63  }
0xa9: {  	_ = 	snop  }
0xaa: {  	[tilespmem:s22], [sflag:$0x1] =	stream.indirect.gather [hbm4b:s2+s20], $0x80, s20, s20, $0xb8;
	[tilespmem:$0x19400] =	vst v63  }
0xab: {  	_ = 	snop  }
0xac: {  	[tilespmem:s24], [sflag:$0x1] =	stream.indirect.gather [hbm4b:s2+s20], $0x80, s23, s20, $0xb8;
	[tilespmem:$0x19400] =	vst v63  }
0xad: {  	_ = 	snop  }
0xae: {  	[tilespmem:s28], [sflag:$0x1] =	stream.indirect.gather [hbm4b:s2+s25], $0x80, s26, s25, $0xb8;
	[tilespmem:$0x19400] =	vst v63  }
0xaf: {  	_ = 	snop  }
0xb0: {  	[tilespmem:s29], [sflag:$0x4] =	stream.linear.gather [hbm4b:s4+s3], $0x190, $0x38;
	[tilespmem:$0x19400] =	vst v63  }
0xb1: {  	_ =	swait.ge [sflag:s19], $0x190  }
0xb2: {  	[sflag:s19] =	ssyncset.done $0x0  }
0xb3: {  	[sflag:s19] =	ssyncadd.s32 $0xFFFFFE70  }
0xb4: {  	_ =	swait.ge [sflag:s30], $0x4000  }
0xb5: {  	[sflag:s30] =	ssyncset.done $0x0  }
0xb6: {  	[sflag:s30] =	ssyncadd.s32 $0xFFFFC000  }
0xb7: {  	_ =	swait.ge [sflag:s30], $0x4000  }
0xb8: {  	[sflag:s30] =	ssyncset.done $0x0  }
0xb9: {  	[sflag:s30] =	ssyncadd.s32 $0xFFFFC000  }
0xba: {  	_ =	swait.ge [sflag:s30], $0x4000  }
0xbb: {  	[sflag:s30] =	ssyncset.done $0x0  }
0xbc: {  	[sflag:s30] =	ssyncadd.s32 $0xFFFFC000  }
0xbd: {  	_ =	swait.ge [sflag:s30], $0x800  }
0xbe: {  	s6 =	smov.u32 s15;
	s17 =	rddreg [dreg:$0x5]  }
0xbf: {  	[sflag:s30] =	ssyncset.done $0x0;
	s17 =	sadd.s32 s6, s17  }
0xc0: {  	s18 =	rddreg [dreg:$0x4];
	[sflag:s30] =	ssyncadd.s32 $0xFFFFF800;
	s14 =	sadd.s32 $0x3200, s17  }
0xc1: {  	[hbm4b:s14+s3] =	stream.linear.scatter [tilespmem:s21], [sflag:$0x2], $0x6400, $0x38;
	[tilespmem:$0x19400] =	vst v63  }
0xc2: {  	s18 =	sadd.s32 s6, s18  }
0xc3: {  	[hbm4b:s18+s3] =	stream.linear.scatter [tilespmem:s31], [sflag:$0x2], $0x6400, $0x38;
	[tilespmem:$0x19400] =	vst v63  }
0xc4: {  	_ =	swait.ge [sflag:s13], $0x6400  }
0xc5: {  	[sflag:s13] =	ssyncset.done $0x0  }
0xc6: {  	[sflag:s13] =	ssyncadd.s32 $0xFFFF9C00  }
0xc7: {  	_ =	swait.ge [sflag:s13], $0x6400  }
0xc8: {  	[sflag:s13] =	ssyncset.done $0x0  }
0xc9: {  	[sflag:s13] =	ssyncadd.s32 $0xFFFF9C00  }
0xca: {  	[tilespmem:s1], [sflag:$0x1] =	stream.indirect.gather [hbm4b:s2+s20], $0x80, s29, s20, $0xb8;
	[tilespmem:$0x19400] =	vst v63  }
0xcb: {  	_ = 	snop  }
0xcc: {  	[tilespmem:s5], [sflag:$0x1] =	stream.indirect.gather [hbm4b:s2+s20], $0x80, s0, s20, $0xb8;
	[tilespmem:$0x19400] =	vst v63  }
0xcd: {  	_ = 	snop  }
0xce: {  	[tilespmem:s8], [sflag:$0x1] =	stream.indirect.gather [hbm4b:s2+s20], $0x80, s7, s20, $0xb8;
	[tilespmem:$0x19400] =	vst v63  }
0xcf: {  	_ = 	snop  }
0xd0: {  	[tilespmem:s10], [sflag:$0x1] =	stream.indirect.gather [hbm4b:s2+s25], $0x80, s9, s25, $0xb8;
	[tilespmem:$0x19400] =	vst v63  }
0xd1: {  	_ = 	snop  }
0xd2: {  	[tilespmem:s3], [sflag:$0x4] =	stream.linear.gather [hbm4b:s16+s3], $0x190, $0x38;
	[tilespmem:$0x19400] =	vst v63  }
0xd3: {  	_ =	swait.ge [sflag:s19], $0x190  }
0xd4: {  	[sflag:s19] =	ssyncset.done $0x0  }
0xd5: {  	[sflag:s19] =	ssyncadd.s32 $0xFFFFFE70  }
0xd6: {  	_ =	swait.ge [sflag:s30], $0x4000  }
0xd7: {  	[sflag:s30] =	ssyncset.done $0x0  }
0xd8: {  	[sflag:s30] =	ssyncadd.s32 $0xFFFFC000  }
0xd9: {  	_ =	swait.ge [sflag:s30], $0x4000  }
0xda: {  	[sflag:s30] =	ssyncset.done $0x0  }
0xdb: {  	[sflag:s30] =	ssyncadd.s32 $0xFFFFC000  }
0xdc: {  	_ =	swait.ge [sflag:s30], $0x4000  }
0xdd: {  	p0 =	sne.s32 s15, $0x5AA00;
	[sflag:s30] =	ssyncset.done $0x0  }
.Ltmp0:
0xde: {  	[sflag:s30] =	ssyncadd.s32 $0xFFFFC000;
	(pc) =	sbr.rel @p0 .LBB2_2-.Ltmp0, $4  }
0xdf: {  	s15 =	sadd.s32 $0x3200, s15;
	s4 =	sadd.s32 $0x64, s4;
	_ =	swait.ge [sflag:s30], $0x800  }
0xe0: {  	s17 =	sadd.s32 $0x4B00, s17;
	[sflag:s30] =	ssyncset.done $0x0;
	s18 =	rddreg [dreg:$0x6]  }
0xe1: {  	s16 =	sadd.s32 $0x64, s16;
	[sflag:s30] =	ssyncadd.s32 $0xFFFFF800;
	s6 =	sadd.s32 s6, s18  }
0xe2: {  	[hbm4b:s17+s3] =	stream.linear.scatter [tilespmem:s1], [sflag:$0x3], $0x6400, $0x38;
	[tilespmem:$0x19400] =	vst v63  }
0xe3: {  	[hbm4b:s6+s3] =	stream.linear.scatter [tilespmem:s11], [sflag:$0x3], $0x6400, $0x38;
	[tilespmem:$0x19400] =	vst v63  }
0xe4: {  	_ =	swait.ge [sflag:s12], $0x6400  }
0xe5: {  	[sflag:s12] =	ssyncset.done $0x0  }
0xe6: {  	[sflag:s12] =	ssyncadd.s32 $0xFFFF9C00  }
0xe7: {  	_ =	swait.ge [sflag:s12], $0x6400  }
0xe8: {  	[sflag:s12] =	ssyncset.done $0x0  }
0xe9: {  	[sflag:s12] =	ssyncadd.s32 $0xFFFF9C00  }
0xea: {  	[tilespmem:s21], [sflag:$0x1] =	stream.indirect.gather [hbm4b:s2+s20], $0x80, s3, s20, $0xb8;
	[tilespmem:$0x19400] =	vst v63  }
0xeb: {  	_ = 	snop  }
0xec: {  	[tilespmem:s22], [sflag:$0x1] =	stream.indirect.gather [hbm4b:s2+s20], $0x80, s20, s20, $0xb8;
	[tilespmem:$0x19400] =	vst v63  }
0xed: {  	_ = 	snop  }
0xee: {  	[tilespmem:s24], [sflag:$0x1] =	stream.indirect.gather [hbm4b:s2+s20], $0x80, s23, s20, $0xb8;
	[tilespmem:$0x19400] =	vst v63  }
0xef: {  	_ = 	snop  }
0xf0: {  	[tilespmem:s28], [sflag:$0x1] =	stream.indirect.gather [hbm4b:s2+s25], $0x80, s26, s25, $0xb8;
	[tilespmem:$0x19400] =	vst v63  }
0xf1: {  	s4 =	rddreg [dreg:$0xe]  }
0xf2: {  	[tilespmem:s29], [sflag:$0x4] =	stream.linear.gather [hbm4b:s4+s3], $0x190, $0x38;
	[tilespmem:$0x19400] =	vst v63  }
0xf3: {  	_ =	swait.ge [sflag:s19], $0x190  }
0xf4: {  	[sflag:s19] =	ssyncset.done $0x0  }
0xf5: {  	[sflag:s19] =	ssyncadd.s32 $0xFFFFFE70  }
0xf6: {  	_ =	swait.ge [sflag:s30], $0x4000  }
0xf7: {  	[sflag:s30] =	ssyncset.done $0x0  }
0xf8: {  	[sflag:s30] =	ssyncadd.s32 $0xFFFFC000  }
0xf9: {  	_ =	swait.ge [sflag:s30], $0x4000  }
0xfa: {  	[sflag:s30] =	ssyncset.done $0x0  }
0xfb: {  	[sflag:s30] =	ssyncadd.s32 $0xFFFFC000  }
0xfc: {  	_ =	swait.ge [sflag:s30], $0x4000  }
0xfd: {  	[sflag:s30] =	ssyncset.done $0x0  }
0xfe: {  	[sflag:s30] =	ssyncadd.s32 $0xFFFFC000  }
0xff: {  	_ =	swait.ge [sflag:s30], $0x800  }
0x100: {  	[sflag:s30] =	ssyncset.done $0x0  }
0x101: {  	s6 =	rddreg [dreg:$0xf];
	[sflag:s30] =	ssyncadd.s32 $0xFFFFF800  }
0x102: {  	[hbm4b:s6+s3] =	stream.linear.scatter [tilespmem:s21], [sflag:$0x2], $0x6400, $0x38;
	[tilespmem:$0x19400] =	vst v63  }
0x103: {  	s14 =	rddreg [dreg:$0x10]  }
0x104: {  	[hbm4b:s14+s3] =	stream.linear.scatter [tilespmem:s31], [sflag:$0x2], $0x6400, $0x38;
	[tilespmem:$0x19400] =	vst v63  }
0x105: {  	_ =	swait.ge [sflag:s13], $0x6400  }
0x106: {  	[sflag:s13] =	ssyncset.done $0x0  }
0x107: {  	[sflag:s13] =	ssyncadd.s32 $0xFFFF9C00  }
0x108: {  	_ =	swait.ge [sflag:s13], $0x6400  }
0x109: {  	[sflag:s13] =	ssyncset.done $0x0  }
0x10a: {  	[sflag:s13] =	ssyncadd.s32 $0xFFFF9C00  }
0x10b: {  	[tilespmem:s1], [sflag:$0x1] =	stream.indirect.gather [hbm4b:s2+s20], $0x80, s29, s20, $0xb8;
	[tilespmem:$0x19400] =	vst v63  }
0x10c: {  	_ = 	snop  }
0x10d: {  	[tilespmem:s5], [sflag:$0x1] =	stream.indirect.gather [hbm4b:s2+s20], $0x80, s0, s20, $0xb8;
	[tilespmem:$0x19400] =	vst v63  }
0x10e: {  	_ = 	snop  }
0x10f: {  	[tilespmem:s8], [sflag:$0x1] =	stream.indirect.gather [hbm4b:s2+s20], $0x80, s7, s20, $0xb8;
	[tilespmem:$0x19400] =	vst v63  }
0x110: {  	_ = 	snop  }
0x111: {  	[tilespmem:s10], [sflag:$0x1] =	stream.indirect.gather [hbm4b:s2+s25], $0x80, s9, s25, $0xb8;
	[tilespmem:$0x19400] =	vst v63  }
0x112: {  	_ =	swait.ge [sflag:s30], $0x4000  }
0x113: {  	[sflag:s30] =	ssyncset.done $0x0  }
0x114: {  	[sflag:s30] =	ssyncadd.s32 $0xFFFFC000  }
0x115: {  	_ =	swait.ge [sflag:s30], $0x4000  }
0x116: {  	[sflag:s30] =	ssyncset.done $0x0  }
0x117: {  	[sflag:s30] =	ssyncadd.s32 $0xFFFFC000  }
0x118: {  	_ =	swait.ge [sflag:s30], $0x4000  }
0x119: {  	[sflag:s30] =	ssyncset.done $0x0  }
0x11a: {  	[sflag:s30] =	ssyncadd.s32 $0xFFFFC000  }
0x11b: {  	_ =	swait.ge [sflag:s30], $0x800  }
0x11c: {  	[sflag:s30] =	ssyncset.done $0x0  }
0x11d: {  	s15 =	rddreg [dreg:$0x11];
	[sflag:s30] =	ssyncadd.s32 $0xFFFFF800  }
0x11e: {  	[hbm4b:s15+s3] =	stream.linear.scatter [tilespmem:s1], [sflag:$0x3], $0x6400, $0x38;
	[tilespmem:$0x19400] =	vst v63  }
0x11f: {  	s16 =	rddreg [dreg:$0x12]  }
0x120: {  	[hbm4b:s16+s3] =	stream.linear.scatter [tilespmem:s11], [sflag:$0x3], $0x6400, $0x38;
	[tilespmem:$0x19400] =	vst v63  }
0x121: {  	_ =	swait.ge [sflag:s12], $0x6400  }
0x122: {  	[sflag:s12] =	ssyncset.done $0x0  }
0x123: {  	[sflag:s12] =	ssyncadd.s32 $0xFFFF9C00  }
0x124: {  	_ =	swait.ge [sflag:s12], $0x6400  }
0x125: {  	[sflag:s12] =	ssyncset.done $0x0  }
0x126: {  	[sflag:s12] =	ssyncadd.s32 $0xFFFF9C00  }
0x127: {  	_ =	swait.ge [sflag:s13], $0x6400  }
0x128: {  	[sflag:s13] =	ssyncset.done $0x0  }
0x129: {  	[sflag:s13] =	ssyncadd.s32 $0xFFFF9C00  }
0x12a: {  	_ =	swait.ge [sflag:s13], $0x6400  }
0x12b: {  	s17 =	rddreg [dreg:$0x16]  }
0x12c: {  	s18 =	rddreg [dreg:$0x13];
	s6 =	sadd.s32 $0x1, s17  }
0x12d: {  	p0 =	sne.s32 s6, s18  }
.Ltmp1:
0x12e: {  	_ = 	snop;
	(pc) =	sbr.rel @p0 .LBB2_1-.Ltmp1, $3  }
0x12f: {  	_ =	sdelay $0x1  }
0x130: {  	[sflag:s13] =	ssyncset.done $0x0  }
0x131: {  	[sflag:s13] =	ssyncadd.s32 $0xFFFF9C00  }
0x132: {  	_ =	sfence.sel $0x180000  }
0x133: {  	[bflag:$0x0] =	sbarrier.arrive $0xFFFF  }
0x134: {  	_ =	strace $0x90000047  }
0x135: {  	s0 =	stileid.u32;
	[bflag:$0x2] =	sbarrier.arrive $0xFFFF  }
0x136: {  	p0 =	sne.s32 s0, $0x0;
	s0 =	rddreg [dreg:$0x3]  }
0x137: {  	s0 =	sadd.s32 @!p0 $0x100000, s0  }
0x138: {  	[sflag:s0] =	ssyncadd.tile.s32 @!p0 $0x1;
	_ =	shalt  }
.Lfunc_end2:
_tile_overlayer_lowered:
.L_overlay_start_2:
0x139: {  	(tag) =	ssettag $0x2  }
0x13a: {  	s0 =	rddreg [dreg:$0x0];
	s2 =	stileid.u32  }
0x13b: {  	s1 =	rddreg [dreg:$0x1];
	p0 =	sne.s32 s2, $0x0  }
0x13c: {  	s3 =	rddreg [dreg:$0x2];
	[bflag:$0x3] =	sbarrier.arrive $0xFFFF;
	s2 =	simm.s32 @!p0 $0x1C04  }
0x13d: {  	[timem:s3], [sflag:s2] =	dma.local @!p0 [hbm:s0], s1  }
0x13e: {  	s0 =	simm.s32 @!p0 $0x4  }
0x13f: {  	_ =	swait.ge @!p0 [sflag:s0], s1  }
0x140: {  	s1 =	ssub.s32 @!p0 $0x0, s1;
	[sflag:s0] =	ssyncset.done @!p0 $0x0  }
0x141: {  	[sflag:s0] =	ssyncadd.s32 @!p0 s1  }
0x142: {  	[bflag:$0x3] =	sbarrier.arrive $0xFFFF  }
0x143: {  	_ =	shalt  }

</sc_bundles>
